<compile_context>
chip_gen: v7x
topology: tpu7x:2x2x1
jax: 0.10.2.dev20260603
libtpu: 0.0.44.dev20260713+nightly
codegen_flags: <defaults>
</compile_context>

<pallas_src>
import functools

import jax
import jax.numpy as jnp
from jax import lax
from jax.experimental import pallas as pl
from jax.experimental.pallas import tpu as pltpu
from jax.experimental.pallas import tpu_sc as plsc

N = 10000
E = 320000
D_IN = 128
D_H = 128
D_OUT = 64
D1 = 136
D2 = 64

NC = 2
NS = 16
NW = NC * NS
EPW = E // NW
CHUNK = 80
NCHUNK = 125
NPAD = 10240
ROWS_PER_TILE = NPAD // NS


def _make_sc_aggregate(d):
    mesh = plsc.VectorSubcoreMesh(core_axis_name="c", subcore_axis_name="s")

    @functools.partial(
        pl.kernel,
        mesh=mesh,
        out_type=jax.ShapeDtypeStruct((NC, NPAD, d), jnp.float32),
        compiler_params=pltpu.CompilerParams(use_tc_tiling_on_sc=False,
                                             needs_layout_passes=False),
        scratch_types=[
            pltpu.VMEM((NCHUNK, CHUNK), jnp.int32),
            pltpu.VMEM((NCHUNK, CHUNK), jnp.int32),
            pltpu.VMEM((CHUNK, d), jnp.float32),
            pltpu.VMEM((CHUNK, d), jnp.float32),
            pltpu.VMEM_SHARED((NPAD, d), jnp.float32),
            pltpu.SemaphoreType.DMA,
            pltpu.SemaphoreType.DMA,
        ],
    )
    def agg(feat_hbm, src_hbm, dst_hbm, zeros_hbm, out_hbm,
            src_v, dst_v, buf0, buf1, acc_sh, sem0, sem1):
        c = lax.axis_index("c")
        s = lax.axis_index("s")
        b = c * NS + s
        r0 = s * ROWS_PER_TILE
        pltpu.sync_copy(zeros_hbm.at[pl.ds(r0, ROWS_PER_TILE)],
                        acc_sh.at[pl.ds(r0, ROWS_PER_TILE)])
        pltpu.sync_copy(src_hbm.at[b], src_v)
        pltpu.sync_copy(dst_hbm.at[b], dst_v)
        plsc.subcore_barrier()

        def gather(j, buf, sem):
            return pltpu.async_copy(feat_hbm.at[src_v.at[j]], buf, sem)

        def scatter(j, buf):
            pltpu.sync_copy(buf, acc_sh.at[dst_v.at[j]], add=True)

        def wait0(j):
            pltpu.make_async_copy(feat_hbm.at[src_v.at[j]],
                                  buf0, sem0).wait()

        gather(0, buf0, sem0)

        def pipe(k, carry):
            j = 4 * k
            h1 = gather(j + 1, buf1, sem1)
            wait0(j)
            scatter(j, buf0)
            h2 = gather(j + 2, buf0, sem0)
            h1.wait()
            scatter(j + 1, buf1)
            h3 = gather(j + 3, buf1, sem1)
            h2.wait()
            scatter(j + 2, buf0)
            gather(j + 4, buf0, sem0)
            h3.wait()
            scatter(j + 3, buf1)
            return carry

        lax.fori_loop(0, (NCHUNK - 1) // 4, pipe, 0)
        wait0(NCHUNK - 1)
        scatter(NCHUNK - 1, buf0)
        plsc.subcore_barrier()
        pltpu.sync_copy(acc_sh.at[pl.ds(r0, ROWS_PER_TILE)],
                        out_hbm.at[c, pl.ds(r0, ROWS_PER_TILE)])

    return agg


_BN = 1000
_BN1 = 1024


def _tc_forward(p, Wt1, bt1, Wp1, bp1, Wt2, Wp2):

    def body(p_ref, wt1_ref, bt1_ref, wp1_ref, bp1_ref, wt2_ref,
             wp2_ref, z_ref, inv_ref):
        sblk = p_ref[0] + p_ref[1]
        inv = 1.0 / jnp.maximum(sblk[:, D_IN:D_IN + 1], 1.0)
        a = sblk[:, :D_IN] * inv
        ht = jnp.maximum(
            jnp.dot(a, wt1_ref[...], preferred_element_type=jnp.float32)
            + bt1_ref[...], 0.0)
        hp = jnp.maximum(
            jnp.dot(a, wp1_ref[...], preferred_element_type=jnp.float32)
            + bp1_ref[...], 0.0)
        z_ref[...] = (
            jnp.dot(hp, wp2_ref[...], preferred_element_type=jnp.float32)
            - jnp.dot(ht, wt2_ref[...], preferred_element_type=jnp.float32))
        inv_ref[...] = inv

    return pl.pallas_call(
        body,
        grid=(NPAD // _BN1,),
        in_specs=[
            pl.BlockSpec((NC, _BN1, D1), lambda i: (0, i, 0)),
            pl.BlockSpec((D_IN, D_H), lambda i: (0, 0)),
            pl.BlockSpec((1, D_H), lambda i: (0, 0)),
            pl.BlockSpec((D_IN, D_H), lambda i: (0, 0)),
            pl.BlockSpec((1, D_H), lambda i: (0, 0)),
            pl.BlockSpec((D_H, D_OUT), lambda i: (0, 0)),
            pl.BlockSpec((D_H, D_OUT), lambda i: (0, 0)),
        ],
        out_specs=[
            pl.BlockSpec((_BN1, D2), lambda i: (i, 0)),
            pl.BlockSpec((_BN1, 1), lambda i: (i, 0)),
        ],
        out_shape=[
            jax.ShapeDtypeStruct((NPAD, D2), jnp.float32),
            jax.ShapeDtypeStruct((NPAD, 1), jnp.float32),
        ],
    )(p, Wt1, bt1, Wp1, bp1, Wt2, Wp2)


def _tc_loss(q, invd, db):
    grid_n = N // _BN

    def body(q_ref, inv_ref, db_ref, out_ref):
        i = pl.program_id(0)
        diff = (q_ref[0] + q_ref[1]) * inv_ref[...] + db_ref[...]
        ssq = jnp.sum(diff * diff)
        prev = jnp.where(i == 0, 0.0, out_ref[0, 0])
        tot = prev + ssq
        out_ref[0, 0] = jnp.where(i == grid_n - 1,
                                  tot * (1.0 / (N * D_OUT)), tot)

    return pl.pallas_call(
        body,
        grid=(grid_n,),
        in_specs=[
            pl.BlockSpec((NC, _BN, D2), lambda i: (0, i, 0)),
            pl.BlockSpec((_BN, 1), lambda i: (i, 0)),
            pl.BlockSpec((1, D2), lambda i: (0, 0)),
        ],
        out_specs=pl.BlockSpec(memory_space=pltpu.SMEM),
        out_shape=jax.ShapeDtypeStruct((1, 1), jnp.float32),
    )(q, invd, db)





def kernel(x, edge_index, Wt1, bt1, Wt2, bt2, Wp1, bp1, Wp2, bp2):
    src = edge_index[0].reshape(NW, NCHUNK, CHUNK)
    dst = edge_index[1].reshape(NW, NCHUNK, CHUNK)
    xaug = jnp.concatenate(
        [x, jnp.ones((N, 1), jnp.float32),
         jnp.zeros((N, D1 - D_IN - 1), jnp.float32)], axis=1)
    zeros1 = jnp.zeros((NPAD, D1), jnp.float32)
    zeros2 = jnp.zeros((NPAD, D2), jnp.float32)

    p1 = _make_sc_aggregate(D1)(xaug, src, dst, zeros1)
    z, invd = _tc_forward(p1, Wt1, bt1.reshape(1, D_H), Wp1,
                          bp1.reshape(1, D_H), Wt2, Wp2)
    p2 = _make_sc_aggregate(D2)(z, src, dst, zeros2)
    loss = _tc_loss(p2, invd, (bp2 - bt2).reshape(1, D2))
    return loss[0, 0]

# --- scband reference (transcript-rebuilt; emitter-appended) ---
"""Pipeline reference for scband-random-network-distiller-979252544454 (READ-ONLY COPY).

The authoritative reference and input builder live on the scoring server;
editing this copy changes nothing except your own understanding.
"""

import jax, jax.numpy as jnp
import numpy as np

N = 10000
E = 320000
D_IN = 128
D_H = 128
D_OUT = 64


def setup_inputs(seed: int = 0) -> dict:
    key = jax.random.key(seed)
    ks = jax.random.split(key, 8)
    x = jax.random.normal(ks[0], (N, D_IN), dtype=jnp.float32)
    edge_index = jax.random.randint(ks[1], (2, E), 0, N, dtype=jnp.int32)
    s1 = 1.0 / np.sqrt(D_IN)
    s2 = 1.0 / np.sqrt(D_H)
    Wt1 = jax.random.normal(ks[2], (D_IN, D_H), dtype=jnp.float32) * s1
    bt1 = jnp.zeros((D_H,), dtype=jnp.float32)
    Wt2 = jax.random.normal(ks[3], (D_H, D_OUT), dtype=jnp.float32) * s2
    bt2 = jnp.zeros((D_OUT,), dtype=jnp.float32)
    Wp1 = jax.random.normal(ks[4], (D_IN, D_H), dtype=jnp.float32) * s1
    bp1 = jnp.zeros((D_H,), dtype=jnp.float32)
    Wp2 = jax.random.normal(ks[5], (D_H, D_OUT), dtype=jnp.float32) * s2
    bp2 = jnp.zeros((D_OUT,), dtype=jnp.float32)
    return {"x": x, "edge_index": edge_index, "Wt1": Wt1, "bt1": bt1, "Wt2": Wt2, "bt2": bt2, "Wp1": Wp1, "bp1": bp1, "Wp2": Wp2, "bp2": bp2}


def _gcn_layer(h, src, dst, inv_deg, W, b, relu):
    msgs = jnp.take(h, src, axis=0)
    agg = jax.ops.segment_sum(msgs, dst, num_segments=N)
    agg = agg * inv_deg[:, None]
    out = agg @ W + b
    if relu:
        out = jax.nn.relu(out)
    return out


def _gcn(x, src, dst, inv_deg, W1, b1, W2, b2):
    h = _gcn_layer(x, src, dst, inv_deg, W1, b1, relu=True)
    h = _gcn_layer(h, src, dst, inv_deg, W2, b2, relu=False)
    return h


def reference(x, edge_index, Wt1, bt1, Wt2, bt2, Wp1, bp1, Wp2, bp2):
    src = edge_index[0]
    dst = edge_index[1]
    deg = jax.ops.segment_sum(jnp.ones((E,), dtype=jnp.float32), dst, num_segments=N)
    inv_deg = 1.0 / jnp.maximum(deg, 1.0)
    # target network: frozen random GCN (requires_grad_(False))
    target_features = _gcn(x, src, dst, inv_deg, Wt1, bt1, Wt2, bt2)
    # prediction network: trainable GCN with identical architecture
    predicted_features = _gcn(x, src, dst, inv_deg, Wp1, bp1, Wp2, bp2)
    # nn.MSELoss() -> mean over all elements
    loss = jnp.mean((predicted_features - target_features) ** 2)
    return loss

if __name__ == "__main__":
    import jax
    _d = setup_inputs()
    print(jax.jit(kernel)(*tuple(_d.values())))

</pallas_src>

<mosaic_0001>
#map = affine_map<(d0, d1) -> (0, 0)>
#map1 = affine_map<(d0, d1) -> (0, 0, 0)>
module attributes {stable_mosaic.version = 14 : i64} {
  func.func @agg(%arg0: i32, %arg1: i32, %arg2: memref<10000x136xf32, #tpu.memory_space<hbm>>, %arg3: memref<32x125x80xi32, #tpu.memory_space<hbm>>, %arg4: memref<32x125x80xi32, #tpu.memory_space<hbm>>, %arg5: memref<10240x136xf32, #tpu.memory_space<hbm>>, %arg6: memref<2x10240x136xf32, #tpu.memory_space<hbm>>, %arg7: memref<125x80xi32, #tpu.memory_space<vmem>>, %arg8: memref<125x80xi32, #tpu.memory_space<vmem>>, %arg9: memref<80x136xf32, #tpu.memory_space<vmem>>, %arg10: memref<80x136xf32, #tpu.memory_space<vmem>>, %arg11: memref<10240x136xf32, #tpu.memory_space<vmem_shared>>, %arg12: memref<!tpu.dma_semaphore, #tpu.memory_space<semaphore_mem>>, %arg13: memref<!tpu.dma_semaphore, #tpu.memory_space<semaphore_mem>>) attributes {dimension_semantics = [#tpu.dimension_semantics<core_parallel>, #tpu.dimension_semantics<subcore_parallel>], iteration_bounds = array<i64: 2, 16>, scalar_prefetch = 0 : i64, scratch_operands = 7 : i64, tpu.core_type = #tpu.core_type<sc_vector_subcore>, window_params = [{transform_indices = #map}, {transform_indices = #map1}, {transform_indices = #map1}, {transform_indices = #map}, {transform_indices = #map1}]} {
    %mul3A = arith.constant 16 : i32
    %mul3A_0 = arith.muli %arg0, %mul3A : i32
    %add3A = arith.addi %mul3A_0, %arg1 : i32
    %mul3A_1 = arith.constant 640 : i32
    %mul3A_2 = arith.muli %arg1, %mul3A_1 : i32
    "tpu.region"() ({
      %run_scoped3A_21 = tpu.sem_alloc : memref<!tpu.dma_semaphore, #tpu.memory_space<semaphore_mem>>
      %dma_start3A_22 = arith.constant 0 : i32
      %dma_start3A_23 = tpu.memref_slice %arg11[%mul3A_2, %dma_start3A_22] : memref<10240x136xf32, #tpu.memory_space<vmem_shared>> -> memref<640x136xf32, #tpu.memory_space<vmem_shared>>
      %dma_start3A_24 = arith.constant 0 : i32
      %dma_start3A_25 = tpu.memref_slice %arg5[%mul3A_2, %dma_start3A_24] : memref<10240x136xf32, #tpu.memory_space<hbm>> -> memref<640x136xf32, #tpu.memory_space<hbm>>
      tpu.enqueue_dma source(%dma_start3A_25 : memref<640x136xf32, #tpu.memory_space<hbm>>) target(%dma_start3A_23 : memref<640x136xf32, #tpu.memory_space<vmem_shared>>) target_semaphore(%run_scoped3A_21 : memref<!tpu.dma_semaphore, #tpu.memory_space<semaphore_mem>>)
      %dma_wait3A_26 = arith.constant 0 : i32
      %dma_wait3A_27 = tpu.memref_slice %arg11[%mul3A_2, %dma_wait3A_26] : memref<10240x136xf32, #tpu.memory_space<vmem_shared>> -> memref<640x136xf32, #tpu.memory_space<vmem_shared>>
      %dma_wait3A_28 = arith.constant 0 : i32
      %dma_wait3A_29 = tpu.memref_slice %arg5[%mul3A_2, %dma_wait3A_28] : memref<10240x136xf32, #tpu.memory_space<hbm>> -> memref<640x136xf32, #tpu.memory_space<hbm>>
      tpu.wait_dma2 semaphore(%run_scoped3A_21 : memref<!tpu.dma_semaphore, #tpu.memory_space<semaphore_mem>>) src(%dma_wait3A_29 : memref<640x136xf32, #tpu.memory_space<hbm>>) dst(%dma_wait3A_27 : memref<640x136xf32, #tpu.memory_space<vmem_shared>>)
      tpu.yield
    }) : () -> ()
    "tpu.region"() ({
      %run_scoped3A_21 = tpu.sem_alloc : memref<!tpu.dma_semaphore, #tpu.memory_space<semaphore_mem>>
      %dma_start3A_22 = arith.constant 0 : i32
      %dma_start3A_23 = arith.constant 0 : i32
      %dma_start3A_24 = tpu.memref_slice %arg3[%add3A, %dma_start3A_22, %dma_start3A_23] : memref<32x125x80xi32, #tpu.memory_space<hbm>> -> memref<1x125x80xi32, #tpu.memory_space<hbm>>
      %dma_start3A_25 = tpu.memref_squeeze %dma_start3A_24 : memref<1x125x80xi32, #tpu.memory_space<hbm>> -> memref<125x80xi32, #tpu.memory_space<hbm>>
      %dma_start3A_26 = arith.constant 0 : i32
      %dma_start3A_27 = arith.constant 0 : i32
      %dma_start3A_28 = tpu.memref_slice %arg3[%add3A, %dma_start3A_26, %dma_start3A_27] : memref<32x125x80xi32, #tpu.memory_space<hbm>> -> memref<1x125x80xi32, #tpu.memory_space<hbm>>
      %dma_start3A_29 = tpu.memref_squeeze %dma_start3A_28 : memref<1x125x80xi32, #tpu.memory_space<hbm>> -> memref<125x80xi32, #tpu.memory_space<hbm>>
      tpu.enqueue_dma source(%dma_start3A_29 : memref<125x80xi32, #tpu.memory_space<hbm>>) target(%arg7 : memref<125x80xi32, #tpu.memory_space<vmem>>) target_semaphore(%run_scoped3A_21 : memref<!tpu.dma_semaphore, #tpu.memory_space<semaphore_mem>>)
      %dma_wait3A_30 = arith.constant 0 : i32
      %dma_wait3A_31 = arith.constant 0 : i32
      %dma_wait3A_32 = tpu.memref_slice %arg3[%add3A, %dma_wait3A_30, %dma_wait3A_31] : memref<32x125x80xi32, #tpu.memory_space<hbm>> -> memref<1x125x80xi32, #tpu.memory_space<hbm>>
      %dma_wait3A_33 = tpu.memref_squeeze %dma_wait3A_32 : memref<1x125x80xi32, #tpu.memory_space<hbm>> -> memref<125x80xi32, #tpu.memory_space<hbm>>
      %dma_wait3A_34 = arith.constant 0 : i32
      %dma_wait3A_35 = arith.constant 0 : i32
      %dma_wait3A_36 = tpu.memref_slice %arg3[%add3A, %dma_wait3A_34, %dma_wait3A_35] : memref<32x125x80xi32, #tpu.memory_space<hbm>> -> memref<1x125x80xi32, #tpu.memory_space<hbm>>
      %dma_wait3A_37 = tpu.memref_squeeze %dma_wait3A_36 : memref<1x125x80xi32, #tpu.memory_space<hbm>> -> memref<125x80xi32, #tpu.memory_space<hbm>>
      tpu.wait_dma2 semaphore(%run_scoped3A_21 : memref<!tpu.dma_semaphore, #tpu.memory_space<semaphore_mem>>) src(%dma_wait3A_37 : memref<125x80xi32, #tpu.memory_space<hbm>>) dst(%arg7 : memref<125x80xi32, #tpu.memory_space<vmem>>)
      tpu.yield
    }) : () -> ()
    "tpu.region"() ({
      %run_scoped3A_21 = tpu.sem_alloc : memref<!tpu.dma_semaphore, #tpu.memory_space<semaphore_mem>>
      %dma_start3A_22 = arith.constant 0 : i32
      %dma_start3A_23 = arith.constant 0 : i32
      %dma_start3A_24 = tpu.memref_slice %arg4[%add3A, %dma_start3A_22, %dma_start3A_23] : memref<32x125x80xi32, #tpu.memory_space<hbm>> -> memref<1x125x80xi32, #tpu.memory_space<hbm>>
      %dma_start3A_25 = tpu.memref_squeeze %dma_start3A_24 : memref<1x125x80xi32, #tpu.memory_space<hbm>> -> memref<125x80xi32, #tpu.memory_space<hbm>>
      %dma_start3A_26 = arith.constant 0 : i32
      %dma_start3A_27 = arith.constant 0 : i32
      %dma_start3A_28 = tpu.memref_slice %arg4[%add3A, %dma_start3A_26, %dma_start3A_27] : memref<32x125x80xi32, #tpu.memory_space<hbm>> -> memref<1x125x80xi32, #tpu.memory_space<hbm>>
      %dma_start3A_29 = tpu.memref_squeeze %dma_start3A_28 : memref<1x125x80xi32, #tpu.memory_space<hbm>> -> memref<125x80xi32, #tpu.memory_space<hbm>>
      tpu.enqueue_dma source(%dma_start3A_29 : memref<125x80xi32, #tpu.memory_space<hbm>>) target(%arg8 : memref<125x80xi32, #tpu.memory_space<vmem>>) target_semaphore(%run_scoped3A_21 : memref<!tpu.dma_semaphore, #tpu.memory_space<semaphore_mem>>)
      %dma_wait3A_30 = arith.constant 0 : i32
      %dma_wait3A_31 = arith.constant 0 : i32
      %dma_wait3A_32 = tpu.memref_slice %arg4[%add3A, %dma_wait3A_30, %dma_wait3A_31] : memref<32x125x80xi32, #tpu.memory_space<hbm>> -> memref<1x125x80xi32, #tpu.memory_space<hbm>>
      %dma_wait3A_33 = tpu.memref_squeeze %dma_wait3A_32 : memref<1x125x80xi32, #tpu.memory_space<hbm>> -> memref<125x80xi32, #tpu.memory_space<hbm>>
      %dma_wait3A_34 = arith.constant 0 : i32
      %dma_wait3A_35 = arith.constant 0 : i32
      %dma_wait3A_36 = tpu.memref_slice %arg4[%add3A, %dma_wait3A_34, %dma_wait3A_35] : memref<32x125x80xi32, #tpu.memory_space<hbm>> -> memref<1x125x80xi32, #tpu.memory_space<hbm>>
      %dma_wait3A_37 = tpu.memref_squeeze %dma_wait3A_36 : memref<1x125x80xi32, #tpu.memory_space<hbm>> -> memref<125x80xi32, #tpu.memory_space<hbm>>
      tpu.wait_dma2 semaphore(%run_scoped3A_21 : memref<!tpu.dma_semaphore, #tpu.memory_space<semaphore_mem>>) src(%dma_wait3A_37 : memref<125x80xi32, #tpu.memory_space<hbm>>) dst(%arg8 : memref<125x80xi32, #tpu.memory_space<vmem>>)
      tpu.yield
    }) : () -> ()
    %barrier3A = arith.constant 0 : index
    tpu.barrier barrier_id(%barrier3A)
    %dma_start3A = arith.constant 0 : i32
    %dma_start3A_3 = arith.constant 0 : i32
    %dma_start3A_4 = tpu.memref_slice %arg7[%dma_start3A, %dma_start3A_3] : memref<125x80xi32, #tpu.memory_space<vmem>> -> memref<1x80xi32, #tpu.memory_space<vmem>>
    %dma_start3A_5 = tpu.memref_squeeze %dma_start3A_4 : memref<1x80xi32, #tpu.memory_space<vmem>> -> memref<80xi32, #tpu.memory_space<vmem>>
    %dma_start3A_6 = arith.constant 0 : i32
    %dma_start3A_7 = arith.constant 0 : i32
    %dma_start3A_8 = tpu.memref_slice %arg2[%dma_start3A_6, %dma_start3A_7] : memref<10000x136xf32, #tpu.memory_space<hbm>> -> memref<10000x136xf32, #tpu.memory_space<hbm>>
    tpu.enqueue_indirect_dma source(%dma_start3A_8 : memref<10000x136xf32, #tpu.memory_space<hbm>>) target(%arg9 : memref<80x136xf32, #tpu.memory_space<vmem>>) offsets(%dma_start3A_5 : memref<80xi32, #tpu.memory_space<vmem>>) semaphore(%arg12 : memref<!tpu.dma_semaphore, #tpu.memory_space<semaphore_mem>>)
    %scan3A = arith.constant 0 : i32
    %scan3A_9 = arith.constant 0 : i32
    %scan3A_10 = arith.constant 31 : i32
    %scan3A_11 = arith.addi %scan3A_9, %scan3A_10 : i32
    %scan3A_12 = arith.constant 1 : i32
    scf.for %scan3A_21 = %scan3A_9 to %scan3A_11 step %scan3A_12  : i32 {
      %mul3A_22 = arith.constant 4 : i32
      %mul3A_23 = arith.muli %mul3A_22, %scan3A_21 : i32
      %add3A_24 = arith.constant 1 : i32
      %add3A_25 = arith.addi %mul3A_23, %add3A_24 : i32
      %dma_start3A_26 = arith.constant 0 : i32
      %dma_start3A_27 = tpu.memref_slice %arg7[%add3A_25, %dma_start3A_26] : memref<125x80xi32, #tpu.memory_space<vmem>> -> memref<1x80xi32, #tpu.memory_space<vmem>>
      %dma_start3A_28 = tpu.memref_squeeze %dma_start3A_27 : memref<1x80xi32, #tpu.memory_space<vmem>> -> memref<80xi32, #tpu.memory_space<vmem>>
      %dma_start3A_29 = arith.constant 0 : i32
      %dma_start3A_30 = arith.constant 0 : i32
      %dma_start3A_31 = tpu.memref_slice %arg2[%dma_start3A_29, %dma_start3A_30] : memref<10000x136xf32, #tpu.memory_space<hbm>> -> memref<10000x136xf32, #tpu.memory_space<hbm>>
      tpu.enqueue_indirect_dma source(%dma_start3A_31 : memref<10000x136xf32, #tpu.memory_space<hbm>>) target(%arg10 : memref<80x136xf32, #tpu.memory_space<vmem>>) offsets(%dma_start3A_28 : memref<80xi32, #tpu.memory_space<vmem>>) semaphore(%arg13 : memref<!tpu.dma_semaphore, #tpu.memory_space<semaphore_mem>>)
      %dma_wait3A_32 = arith.constant 0 : i32
      %dma_wait3A_33 = tpu.memref_slice %arg7[%mul3A_23, %dma_wait3A_32] : memref<125x80xi32, #tpu.memory_space<vmem>> -> memref<1x80xi32, #tpu.memory_space<vmem>>
      %dma_wait3A_34 = tpu.memref_squeeze %dma_wait3A_33 : memref<1x80xi32, #tpu.memory_space<vmem>> -> memref<80xi32, #tpu.memory_space<vmem>>
      %dma_wait3A_35 = arith.constant 0 : i32
      %dma_wait3A_36 = arith.constant 0 : i32
      %dma_wait3A_37 = tpu.memref_slice %arg2[%dma_wait3A_35, %dma_wait3A_36] : memref<10000x136xf32, #tpu.memory_space<hbm>> -> memref<10000x136xf32, #tpu.memory_space<hbm>>
      tpu.wait_indirect_dma semaphore(%arg12 : memref<!tpu.dma_semaphore, #tpu.memory_space<semaphore_mem>>) src(%dma_wait3A_37 : memref<10000x136xf32, #tpu.memory_space<hbm>>) dst(%arg9 : memref<80x136xf32, #tpu.memory_space<vmem>>)
      "tpu.region"() ({
        %run_scoped3A_86 = tpu.sem_alloc : memref<!tpu.dma_semaphore, #tpu.memory_space<semaphore_mem>>
        %dma_start3A_87 = arith.constant 0 : i32
        %dma_start3A_88 = tpu.memref_slice %arg8[%mul3A_23, %dma_start3A_87] : memref<125x80xi32, #tpu.memory_space<vmem>> -> memref<1x80xi32, #tpu.memory_space<vmem>>
        %dma_start3A_89 = tpu.memref_squeeze %dma_start3A_88 : memref<1x80xi32, #tpu.memory_space<vmem>> -> memref<80xi32, #tpu.memory_space<vmem>>
        %dma_start3A_90 = arith.constant 0 : i32
        %dma_start3A_91 = arith.constant 0 : i32
        %dma_start3A_92 = tpu.memref_slice %arg11[%dma_start3A_90, %dma_start3A_91] : memref<10240x136xf32, #tpu.memory_space<vmem_shared>> -> memref<10240x136xf32, #tpu.memory_space<vmem_shared>>
        tpu.enqueue_indirect_dma source(%arg9 : memref<80x136xf32, #tpu.memory_space<vmem>>) target(%dma_start3A_92 : memref<10240x136xf32, #tpu.memory_space<vmem_shared>>) offsets(%dma_start3A_89 : memref<80xi32, #tpu.memory_space<vmem>>) semaphore(%run_scoped3A_86 : memref<!tpu.dma_semaphore, #tpu.memory_space<semaphore_mem>>) {add = true}
        %dma_wait3A_93 = arith.constant 0 : i32
        %dma_wait3A_94 = tpu.memref_slice %arg8[%mul3A_23, %dma_wait3A_93] : memref<125x80xi32, #tpu.memory_space<vmem>> -> memref<1x80xi32, #tpu.memory_space<vmem>>
        %dma_wait3A_95 = tpu.memref_squeeze %dma_wait3A_94 : memref<1x80xi32, #tpu.memory_space<vmem>> -> memref<80xi32, #tpu.memory_space<vmem>>
        %dma_wait3A_96 = arith.constant 0 : i32
        %dma_wait3A_97 = arith.constant 0 : i32
        %dma_wait3A_98 = tpu.memref_slice %arg11[%dma_wait3A_96, %dma_wait3A_97] : memref<10240x136xf32, #tpu.memory_space<vmem_shared>> -> memref<10240x136xf32, #tpu.memory_space<vmem_shared>>
        tpu.wait_indirect_dma semaphore(%run_scoped3A_86 : memref<!tpu.dma_semaphore, #tpu.memory_space<semaphore_mem>>) src(%arg9 : memref<80x136xf32, #tpu.memory_space<vmem>>) dst(%dma_wait3A_98 : memref<10240x136xf32, #tpu.memory_space<vmem_shared>>)
        tpu.yield
      }) : () -> ()
      %add3A_38 = arith.constant 2 : i32
      %add3A_39 = arith.addi %mul3A_23, %add3A_38 : i32
      %dma_start3A_40 = arith.constant 0 : i32
      %dma_start3A_41 = tpu.memref_slice %arg7[%add3A_39, %dma_start3A_40] : memref<125x80xi32, #tpu.memory_space<vmem>> -> memref<1x80xi32, #tpu.memory_space<vmem>>
      %dma_start3A_42 = tpu.memref_squeeze %dma_start3A_41 : memref<1x80xi32, #tpu.memory_space<vmem>> -> memref<80xi32, #tpu.memory_space<vmem>>
      %dma_start3A_43 = arith.constant 0 : i32
      %dma_start3A_44 = arith.constant 0 : i32
      %dma_start3A_45 = tpu.memref_slice %arg2[%dma_start3A_43, %dma_start3A_44] : memref<10000x136xf32, #tpu.memory_space<hbm>> -> memref<10000x136xf32, #tpu.memory_space<hbm>>
      tpu.enqueue_indirect_dma source(%dma_start3A_45 : memref<10000x136xf32, #tpu.memory_space<hbm>>) target(%arg9 : memref<80x136xf32, #tpu.memory_space<vmem>>) offsets(%dma_start3A_42 : memref<80xi32, #tpu.memory_space<vmem>>) semaphore(%arg12 : memref<!tpu.dma_semaphore, #tpu.memory_space<semaphore_mem>>)
      %dma_wait3A_46 = arith.constant 0 : i32
      %dma_wait3A_47 = tpu.memref_slice %arg7[%add3A_25, %dma_wait3A_46] : memref<125x80xi32, #tpu.memory_space<vmem>> -> memref<1x80xi32, #tpu.memory_space<vmem>>
      %dma_wait3A_48 = tpu.memref_squeeze %dma_wait3A_47 : memref<1x80xi32, #tpu.memory_space<vmem>> -> memref<80xi32, #tpu.memory_space<vmem>>
      %dma_wait3A_49 = arith.constant 0 : i32
      %dma_wait3A_50 = arith.constant 0 : i32
      %dma_wait3A_51 = tpu.memref_slice %arg2[%dma_wait3A_49, %dma_wait3A_50] : memref<10000x136xf32, #tpu.memory_space<hbm>> -> memref<10000x136xf32, #tpu.memory_space<hbm>>
      tpu.wait_indirect_dma semaphore(%arg13 : memref<!tpu.dma_semaphore, #tpu.memory_space<semaphore_mem>>) src(%dma_wait3A_51 : memref<10000x136xf32, #tpu.memory_space<hbm>>) dst(%arg10 : memref<80x136xf32, #tpu.memory_space<vmem>>)
      %add3A_52 = arith.constant 1 : i32
      %add3A_53 = arith.addi %mul3A_23, %add3A_52 : i32
      "tpu.region"() ({
        %run_scoped3A_86 = tpu.sem_alloc : memref<!tpu.dma_semaphore, #tpu.memory_space<semaphore_mem>>
        %dma_start3A_87 = arith.constant 0 : i32
        %dma_start3A_88 = tpu.memref_slice %arg8[%add3A_53, %dma_start3A_87] : memref<125x80xi32, #tpu.memory_space<vmem>> -> memref<1x80xi32, #tpu.memory_space<vmem>>
        %dma_start3A_89 = tpu.memref_squeeze %dma_start3A_88 : memref<1x80xi32, #tpu.memory_space<vmem>> -> memref<80xi32, #tpu.memory_space<vmem>>
        %dma_start3A_90 = arith.constant 0 : i32
        %dma_start3A_91 = arith.constant 0 : i32
        %dma_start3A_92 = tpu.memref_slice %arg11[%dma_start3A_90, %dma_start3A_91] : memref<10240x136xf32, #tpu.memory_space<vmem_shared>> -> memref<10240x136xf32, #tpu.memory_space<vmem_shared>>
        tpu.enqueue_indirect_dma source(%arg10 : memref<80x136xf32, #tpu.memory_space<vmem>>) target(%dma_start3A_92 : memref<10240x136xf32, #tpu.memory_space<vmem_shared>>) offsets(%dma_start3A_89 : memref<80xi32, #tpu.memory_space<vmem>>) semaphore(%run_scoped3A_86 : memref<!tpu.dma_semaphore, #tpu.memory_space<semaphore_mem>>) {add = true}
        %dma_wait3A_93 = arith.constant 0 : i32
        %dma_wait3A_94 = tpu.memref_slice %arg8[%add3A_53, %dma_wait3A_93] : memref<125x80xi32, #tpu.memory_space<vmem>> -> memref<1x80xi32, #tpu.memory_space<vmem>>
        %dma_wait3A_95 = tpu.memref_squeeze %dma_wait3A_94 : memref<1x80xi32, #tpu.memory_space<vmem>> -> memref<80xi32, #tpu.memory_space<vmem>>
        %dma_wait3A_96 = arith.constant 0 : i32
        %dma_wait3A_97 = arith.constant 0 : i32
        %dma_wait3A_98 = tpu.memref_slice %arg11[%dma_wait3A_96, %dma_wait3A_97] : memref<10240x136xf32, #tpu.memory_space<vmem_shared>> -> memref<10240x136xf32, #tpu.memory_space<vmem_shared>>
        tpu.wait_indirect_dma semaphore(%run_scoped3A_86 : memref<!tpu.dma_semaphore, #tpu.memory_space<semaphore_mem>>) src(%arg10 : memref<80x136xf32, #tpu.memory_space<vmem>>) dst(%dma_wait3A_98 : memref<10240x136xf32, #tpu.memory_space<vmem_shared>>)
        tpu.yield
      }) : () -> ()
      %add3A_54 = arith.constant 3 : i32
      %add3A_55 = arith.addi %mul3A_23, %add3A_54 : i32
      %dma_start3A_56 = arith.constant 0 : i32
      %dma_start3A_57 = tpu.memref_slice %arg7[%add3A_55, %dma_start3A_56] : memref<125x80xi32, #tpu.memory_space<vmem>> -> memref<1x80xi32, #tpu.memory_space<vmem>>
      %dma_start3A_58 = tpu.memref_squeeze %dma_start3A_57 : memref<1x80xi32, #tpu.memory_space<vmem>> -> memref<80xi32, #tpu.memory_space<vmem>>
      %dma_start3A_59 = arith.constant 0 : i32
      %dma_start3A_60 = arith.constant 0 : i32
      %dma_start3A_61 = tpu.memref_slice %arg2[%dma_start3A_59, %dma_start3A_60] : memref<10000x136xf32, #tpu.memory_space<hbm>> -> memref<10000x136xf32, #tpu.memory_space<hbm>>
      tpu.enqueue_indirect_dma source(%dma_start3A_61 : memref<10000x136xf32, #tpu.memory_space<hbm>>) target(%arg10 : memref<80x136xf32, #tpu.memory_space<vmem>>) offsets(%dma_start3A_58 : memref<80xi32, #tpu.memory_space<vmem>>) semaphore(%arg13 : memref<!tpu.dma_semaphore, #tpu.memory_space<semaphore_mem>>)
      %dma_wait3A_62 = arith.constant 0 : i32
      %dma_wait3A_63 = tpu.memref_slice %arg7[%add3A_39, %dma_wait3A_62] : memref<125x80xi32, #tpu.memory_space<vmem>> -> memref<1x80xi32, #tpu.memory_space<vmem>>
      %dma_wait3A_64 = tpu.memref_squeeze %dma_wait3A_63 : memref<1x80xi32, #tpu.memory_space<vmem>> -> memref<80xi32, #tpu.memory_space<vmem>>
      %dma_wait3A_65 = arith.constant 0 : i32
      %dma_wait3A_66 = arith.constant 0 : i32
      %dma_wait3A_67 = tpu.memref_slice %arg2[%dma_wait3A_65, %dma_wait3A_66] : memref<10000x136xf32, #tpu.memory_space<hbm>> -> memref<10000x136xf32, #tpu.memory_space<hbm>>
      tpu.wait_indirect_dma semaphore(%arg12 : memref<!tpu.dma_semaphore, #tpu.memory_space<semaphore_mem>>) src(%dma_wait3A_67 : memref<10000x136xf32, #tpu.memory_space<hbm>>) dst(%arg9 : memref<80x136xf32, #tpu.memory_space<vmem>>)
      %add3A_68 = arith.constant 2 : i32
      %add3A_69 = arith.addi %mul3A_23, %add3A_68 : i32
      "tpu.region"() ({
        %run_scoped3A_86 = tpu.sem_alloc : memref<!tpu.dma_semaphore, #tpu.memory_space<semaphore_mem>>
        %dma_start3A_87 = arith.constant 0 : i32
        %dma_start3A_88 = tpu.memref_slice %arg8[%add3A_69, %dma_start3A_87] : memref<125x80xi32, #tpu.memory_space<vmem>> -> memref<1x80xi32, #tpu.memory_space<vmem>>
        %dma_start3A_89 = tpu.memref_squeeze %dma_start3A_88 : memref<1x80xi32, #tpu.memory_space<vmem>> -> memref<80xi32, #tpu.memory_space<vmem>>
        %dma_start3A_90 = arith.constant 0 : i32
        %dma_start3A_91 = arith.constant 0 : i32
        %dma_start3A_92 = tpu.memref_slice %arg11[%dma_start3A_90, %dma_start3A_91] : memref<10240x136xf32, #tpu.memory_space<vmem_shared>> -> memref<10240x136xf32, #tpu.memory_space<vmem_shared>>
        tpu.enqueue_indirect_dma source(%arg9 : memref<80x136xf32, #tpu.memory_space<vmem>>) target(%dma_start3A_92 : memref<10240x136xf32, #tpu.memory_space<vmem_shared>>) offsets(%dma_start3A_89 : memref<80xi32, #tpu.memory_space<vmem>>) semaphore(%run_scoped3A_86 : memref<!tpu.dma_semaphore, #tpu.memory_space<semaphore_mem>>) {add = true}
        %dma_wait3A_93 = arith.constant 0 : i32
        %dma_wait3A_94 = tpu.memref_slice %arg8[%add3A_69, %dma_wait3A_93] : memref<125x80xi32, #tpu.memory_space<vmem>> -> memref<1x80xi32, #tpu.memory_space<vmem>>
        %dma_wait3A_95 = tpu.memref_squeeze %dma_wait3A_94 : memref<1x80xi32, #tpu.memory_space<vmem>> -> memref<80xi32, #tpu.memory_space<vmem>>
        %dma_wait3A_96 = arith.constant 0 : i32
        %dma_wait3A_97 = arith.constant 0 : i32
        %dma_wait3A_98 = tpu.memref_slice %arg11[%dma_wait3A_96, %dma_wait3A_97] : memref<10240x136xf32, #tpu.memory_space<vmem_shared>> -> memref<10240x136xf32, #tpu.memory_space<vmem_shared>>
        tpu.wait_indirect_dma semaphore(%run_scoped3A_86 : memref<!tpu.dma_semaphore, #tpu.memory_space<semaphore_mem>>) src(%arg9 : memref<80x136xf32, #tpu.memory_space<vmem>>) dst(%dma_wait3A_98 : memref<10240x136xf32, #tpu.memory_space<vmem_shared>>)
        tpu.yield
      }) : () -> ()
      %add3A_70 = arith.constant 4 : i32
      %add3A_71 = arith.addi %mul3A_23, %add3A_70 : i32
      %dma_start3A_72 = arith.constant 0 : i32
      %dma_start3A_73 = tpu.memref_slice %arg7[%add3A_71, %dma_start3A_72] : memref<125x80xi32, #tpu.memory_space<vmem>> -> memref<1x80xi32, #tpu.memory_space<vmem>>
      %dma_start3A_74 = tpu.memref_squeeze %dma_start3A_73 : memref<1x80xi32, #tpu.memory_space<vmem>> -> memref<80xi32, #tpu.memory_space<vmem>>
      %dma_start3A_75 = arith.constant 0 : i32
      %dma_start3A_76 = arith.constant 0 : i32
      %dma_start3A_77 = tpu.memref_slice %arg2[%dma_start3A_75, %dma_start3A_76] : memref<10000x136xf32, #tpu.memory_space<hbm>> -> memref<10000x136xf32, #tpu.memory_space<hbm>>
      tpu.enqueue_indirect_dma source(%dma_start3A_77 : memref<10000x136xf32, #tpu.memory_space<hbm>>) target(%arg9 : memref<80x136xf32, #tpu.memory_space<vmem>>) offsets(%dma_start3A_74 : memref<80xi32, #tpu.memory_space<vmem>>) semaphore(%arg12 : memref<!tpu.dma_semaphore, #tpu.memory_space<semaphore_mem>>)
      %dma_wait3A_78 = arith.constant 0 : i32
      %dma_wait3A_79 = tpu.memref_slice %arg7[%add3A_55, %dma_wait3A_78] : memref<125x80xi32, #tpu.memory_space<vmem>> -> memref<1x80xi32, #tpu.memory_space<vmem>>
      %dma_wait3A_80 = tpu.memref_squeeze %dma_wait3A_79 : memref<1x80xi32, #tpu.memory_space<vmem>> -> memref<80xi32, #tpu.memory_space<vmem>>
      %dma_wait3A_81 = arith.constant 0 : i32
      %dma_wait3A_82 = arith.constant 0 : i32
      %dma_wait3A_83 = tpu.memref_slice %arg2[%dma_wait3A_81, %dma_wait3A_82] : memref<10000x136xf32, #tpu.memory_space<hbm>> -> memref<10000x136xf32, #tpu.memory_space<hbm>>
      tpu.wait_indirect_dma semaphore(%arg13 : memref<!tpu.dma_semaphore, #tpu.memory_space<semaphore_mem>>) src(%dma_wait3A_83 : memref<10000x136xf32, #tpu.memory_space<hbm>>) dst(%arg10 : memref<80x136xf32, #tpu.memory_space<vmem>>)
      %add3A_84 = arith.constant 3 : i32
      %add3A_85 = arith.addi %mul3A_23, %add3A_84 : i32
      "tpu.region"() ({
        %run_scoped3A_86 = tpu.sem_alloc : memref<!tpu.dma_semaphore, #tpu.memory_space<semaphore_mem>>
        %dma_start3A_87 = arith.constant 0 : i32
        %dma_start3A_88 = tpu.memref_slice %arg8[%add3A_85, %dma_start3A_87] : memref<125x80xi32, #tpu.memory_space<vmem>> -> memref<1x80xi32, #tpu.memory_space<vmem>>
        %dma_start3A_89 = tpu.memref_squeeze %dma_start3A_88 : memref<1x80xi32, #tpu.memory_space<vmem>> -> memref<80xi32, #tpu.memory_space<vmem>>
        %dma_start3A_90 = arith.constant 0 : i32
        %dma_start3A_91 = arith.constant 0 : i32
        %dma_start3A_92 = tpu.memref_slice %arg11[%dma_start3A_90, %dma_start3A_91] : memref<10240x136xf32, #tpu.memory_space<vmem_shared>> -> memref<10240x136xf32, #tpu.memory_space<vmem_shared>>
        tpu.enqueue_indirect_dma source(%arg10 : memref<80x136xf32, #tpu.memory_space<vmem>>) target(%dma_start3A_92 : memref<10240x136xf32, #tpu.memory_space<vmem_shared>>) offsets(%dma_start3A_89 : memref<80xi32, #tpu.memory_space<vmem>>) semaphore(%run_scoped3A_86 : memref<!tpu.dma_semaphore, #tpu.memory_space<semaphore_mem>>) {add = true}
        %dma_wait3A_93 = arith.constant 0 : i32
        %dma_wait3A_94 = tpu.memref_slice %arg8[%add3A_85, %dma_wait3A_93] : memref<125x80xi32, #tpu.memory_space<vmem>> -> memref<1x80xi32, #tpu.memory_space<vmem>>
        %dma_wait3A_95 = tpu.memref_squeeze %dma_wait3A_94 : memref<1x80xi32, #tpu.memory_space<vmem>> -> memref<80xi32, #tpu.memory_space<vmem>>
        %dma_wait3A_96 = arith.constant 0 : i32
        %dma_wait3A_97 = arith.constant 0 : i32
        %dma_wait3A_98 = tpu.memref_slice %arg11[%dma_wait3A_96, %dma_wait3A_97] : memref<10240x136xf32, #tpu.memory_space<vmem_shared>> -> memref<10240x136xf32, #tpu.memory_space<vmem_shared>>
        tpu.wait_indirect_dma semaphore(%run_scoped3A_86 : memref<!tpu.dma_semaphore, #tpu.memory_space<semaphore_mem>>) src(%arg10 : memref<80x136xf32, #tpu.memory_space<vmem>>) dst(%dma_wait3A_98 : memref<10240x136xf32, #tpu.memory_space<vmem_shared>>)
        tpu.yield
      }) : () -> ()
    }
    %scan3A_13 = arith.constant 31 : i32
    %dma_wait3A = arith.constant 124 : i32
    %dma_wait3A_14 = arith.constant 0 : i32
    %dma_wait3A_15 = tpu.memref_slice %arg7[%dma_wait3A, %dma_wait3A_14] : memref<125x80xi32, #tpu.memory_space<vmem>> -> memref<1x80xi32, #tpu.memory_space<vmem>>
    %dma_wait3A_16 = tpu.memref_squeeze %dma_wait3A_15 : memref<1x80xi32, #tpu.memory_space<vmem>> -> memref<80xi32, #tpu.memory_space<vmem>>
    %dma_wait3A_17 = arith.constant 0 : i32
    %dma_wait3A_18 = arith.constant 0 : i32
    %dma_wait3A_19 = tpu.memref_slice %arg2[%dma_wait3A_17, %dma_wait3A_18] : memref<10000x136xf32, #tpu.memory_space<hbm>> -> memref<10000x136xf32, #tpu.memory_space<hbm>>
    tpu.wait_indirect_dma semaphore(%arg12 : memref<!tpu.dma_semaphore, #tpu.memory_space<semaphore_mem>>) src(%dma_wait3A_19 : memref<10000x136xf32, #tpu.memory_space<hbm>>) dst(%arg9 : memref<80x136xf32, #tpu.memory_space<vmem>>)
    %run_scoped3A = arith.constant 124 : i32
    "tpu.region"() ({
      %run_scoped3A_21 = tpu.sem_alloc : memref<!tpu.dma_semaphore, #tpu.memory_space<semaphore_mem>>
      %dma_start3A_22 = arith.constant 0 : i32
      %dma_start3A_23 = tpu.memref_slice %arg8[%run_scoped3A, %dma_start3A_22] : memref<125x80xi32, #tpu.memory_space<vmem>> -> memref<1x80xi32, #tpu.memory_space<vmem>>
      %dma_start3A_24 = tpu.memref_squeeze %dma_start3A_23 : memref<1x80xi32, #tpu.memory_space<vmem>> -> memref<80xi32, #tpu.memory_space<vmem>>
      %dma_start3A_25 = arith.constant 0 : i32
      %dma_start3A_26 = arith.constant 0 : i32
      %dma_start3A_27 = tpu.memref_slice %arg11[%dma_start3A_25, %dma_start3A_26] : memref<10240x136xf32, #tpu.memory_space<vmem_shared>> -> memref<10240x136xf32, #tpu.memory_space<vmem_shared>>
      tpu.enqueue_indirect_dma source(%arg9 : memref<80x136xf32, #tpu.memory_space<vmem>>) target(%dma_start3A_27 : memref<10240x136xf32, #tpu.memory_space<vmem_shared>>) offsets(%dma_start3A_24 : memref<80xi32, #tpu.memory_space<vmem>>) semaphore(%run_scoped3A_21 : memref<!tpu.dma_semaphore, #tpu.memory_space<semaphore_mem>>) {add = true}
      %dma_wait3A_28 = arith.constant 0 : i32
      %dma_wait3A_29 = tpu.memref_slice %arg8[%run_scoped3A, %dma_wait3A_28] : memref<125x80xi32, #tpu.memory_space<vmem>> -> memref<1x80xi32, #tpu.memory_space<vmem>>
      %dma_wait3A_30 = tpu.memref_squeeze %dma_wait3A_29 : memref<1x80xi32, #tpu.memory_space<vmem>> -> memref<80xi32, #tpu.memory_space<vmem>>
      %dma_wait3A_31 = arith.constant 0 : i32
      %dma_wait3A_32 = arith.constant 0 : i32
      %dma_wait3A_33 = tpu.memref_slice %arg11[%dma_wait3A_31, %dma_wait3A_32] : memref<10240x136xf32, #tpu.memory_space<vmem_shared>> -> memref<10240x136xf32, #tpu.memory_space<vmem_shared>>
      tpu.wait_indirect_dma semaphore(%run_scoped3A_21 : memref<!tpu.dma_semaphore, #tpu.memory_space<semaphore_mem>>) src(%arg9 : memref<80x136xf32, #tpu.memory_space<vmem>>) dst(%dma_wait3A_33 : memref<10240x136xf32, #tpu.memory_space<vmem_shared>>)
      tpu.yield
    }) : () -> ()
    %barrier3A_20 = arith.constant 0 : index
    tpu.barrier barrier_id(%barrier3A_20)
    "tpu.region"() ({
      %run_scoped3A_21 = tpu.sem_alloc : memref<!tpu.dma_semaphore, #tpu.memory_space<semaphore_mem>>
      %dma_start3A_22 = arith.constant 0 : i32
      %dma_start3A_23 = tpu.memref_slice %arg6[%arg0, %mul3A_2, %dma_start3A_22] : memref<2x10240x136xf32, #tpu.memory_space<hbm>> -> memref<1x640x136xf32, #tpu.memory_space<hbm>>
      %dma_start3A_24 = tpu.memref_squeeze %dma_start3A_23 : memref<1x640x136xf32, #tpu.memory_space<hbm>> -> memref<640x136xf32, #tpu.memory_space<hbm>>
      %dma_start3A_25 = arith.constant 0 : i32
      %dma_start3A_26 = tpu.memref_slice %arg11[%mul3A_2, %dma_start3A_25] : memref<10240x136xf32, #tpu.memory_space<vmem_shared>> -> memref<640x136xf32, #tpu.memory_space<vmem_shared>>
      tpu.enqueue_dma source(%dma_start3A_26 : memref<640x136xf32, #tpu.memory_space<vmem_shared>>) target(%dma_start3A_24 : memref<640x136xf32, #tpu.memory_space<hbm>>) target_semaphore(%run_scoped3A_21 : memref<!tpu.dma_semaphore, #tpu.memory_space<semaphore_mem>>)
      %dma_wait3A_27 = arith.constant 0 : i32
      %dma_wait3A_28 = tpu.memref_slice %arg6[%arg0, %mul3A_2, %dma_wait3A_27] : memref<2x10240x136xf32, #tpu.memory_space<hbm>> -> memref<1x640x136xf32, #tpu.memory_space<hbm>>
      %dma_wait3A_29 = tpu.memref_squeeze %dma_wait3A_28 : memref<1x640x136xf32, #tpu.memory_space<hbm>> -> memref<640x136xf32, #tpu.memory_space<hbm>>
      %dma_wait3A_30 = arith.constant 0 : i32
      %dma_wait3A_31 = tpu.memref_slice %arg11[%mul3A_2, %dma_wait3A_30] : memref<10240x136xf32, #tpu.memory_space<vmem_shared>> -> memref<640x136xf32, #tpu.memory_space<vmem_shared>>
      tpu.wait_dma2 semaphore(%run_scoped3A_21 : memref<!tpu.dma_semaphore, #tpu.memory_space<semaphore_mem>>) src(%dma_wait3A_31 : memref<640x136xf32, #tpu.memory_space<vmem_shared>>) dst(%dma_wait3A_29 : memref<640x136xf32, #tpu.memory_space<hbm>>)
      tpu.yield
    }) : () -> ()
    return
  }
}

#map = affine_map<(d0, d1) -> (0, 0)>
#map1 = affine_map<(d0, d1) -> (0, 0, 0)>
module attributes {stable_mosaic.version = 14 : i64} {
  func.func @agg(%arg0: i32, %arg1: i32, %arg2: memref<10240x64xf32, #tpu.memory_space<hbm>>, %arg3: memref<32x125x80xi32, #tpu.memory_space<hbm>>, %arg4: memref<32x125x80xi32, #tpu.memory_space<hbm>>, %arg5: memref<10240x64xf32, #tpu.memory_space<hbm>>, %arg6: memref<2x10240x64xf32, #tpu.memory_space<hbm>>, %arg7: memref<125x80xi32, #tpu.memory_space<vmem>>, %arg8: memref<125x80xi32, #tpu.memory_space<vmem>>, %arg9: memref<80x64xf32, #tpu.memory_space<vmem>>, %arg10: memref<80x64xf32, #tpu.memory_space<vmem>>, %arg11: memref<10240x64xf32, #tpu.memory_space<vmem_shared>>, %arg12: memref<!tpu.dma_semaphore, #tpu.memory_space<semaphore_mem>>, %arg13: memref<!tpu.dma_semaphore, #tpu.memory_space<semaphore_mem>>) attributes {dimension_semantics = [#tpu.dimension_semantics<core_parallel>, #tpu.dimension_semantics<subcore_parallel>], iteration_bounds = array<i64: 2, 16>, scalar_prefetch = 0 : i64, scratch_operands = 7 : i64, tpu.core_type = #tpu.core_type<sc_vector_subcore>, window_params = [{transform_indices = #map}, {transform_indices = #map1}, {transform_indices = #map1}, {transform_indices = #map}, {transform_indices = #map1}]} {
    %mul3A = arith.constant 16 : i32
    %mul3A_0 = arith.muli %arg0, %mul3A : i32
    %add3A = arith.addi %mul3A_0, %arg1 : i32
    %mul3A_1 = arith.constant 640 : i32
    %mul3A_2 = arith.muli %arg1, %mul3A_1 : i32
    "tpu.region"() ({
      %run_scoped3A_21 = tpu.sem_alloc : memref<!tpu.dma_semaphore, #tpu.memory_space<semaphore_mem>>
      %dma_start3A_22 = arith.constant 0 : i32
      %dma_start3A_23 = tpu.memref_slice %arg11[%mul3A_2, %dma_start3A_22] : memref<10240x64xf32, #tpu.memory_space<vmem_shared>> -> memref<640x64xf32, #tpu.memory_space<vmem_shared>>
      %dma_start3A_24 = arith.constant 0 : i32
      %dma_start3A_25 = tpu.memref_slice %arg5[%mul3A_2, %dma_start3A_24] : memref<10240x64xf32, #tpu.memory_space<hbm>> -> memref<640x64xf32, #tpu.memory_space<hbm>>
      tpu.enqueue_dma source(%dma_start3A_25 : memref<640x64xf32, #tpu.memory_space<hbm>>) target(%dma_start3A_23 : memref<640x64xf32, #tpu.memory_space<vmem_shared>>) target_semaphore(%run_scoped3A_21 : memref<!tpu.dma_semaphore, #tpu.memory_space<semaphore_mem>>)
      %dma_wait3A_26 = arith.constant 0 : i32
      %dma_wait3A_27 = tpu.memref_slice %arg11[%mul3A_2, %dma_wait3A_26] : memref<10240x64xf32, #tpu.memory_space<vmem_shared>> -> memref<640x64xf32, #tpu.memory_space<vmem_shared>>
      %dma_wait3A_28 = arith.constant 0 : i32
      %dma_wait3A_29 = tpu.memref_slice %arg5[%mul3A_2, %dma_wait3A_28] : memref<10240x64xf32, #tpu.memory_space<hbm>> -> memref<640x64xf32, #tpu.memory_space<hbm>>
      tpu.wait_dma2 semaphore(%run_scoped3A_21 : memref<!tpu.dma_semaphore, #tpu.memory_space<semaphore_mem>>) src(%dma_wait3A_29 : memref<640x64xf32, #tpu.memory_space<hbm>>) dst(%dma_wait3A_27 : memref<640x64xf32, #tpu.memory_space<vmem_shared>>)
      tpu.yield
    }) : () -> ()
    "tpu.region"() ({
      %run_scoped3A_21 = tpu.sem_alloc : memref<!tpu.dma_semaphore, #tpu.memory_space<semaphore_mem>>
      %dma_start3A_22 = arith.constant 0 : i32
      %dma_start3A_23 = arith.constant 0 : i32
      %dma_start3A_24 = tpu.memref_slice %arg3[%add3A, %dma_start3A_22, %dma_start3A_23] : memref<32x125x80xi32, #tpu.memory_space<hbm>> -> memref<1x125x80xi32, #tpu.memory_space<hbm>>
      %dma_start3A_25 = tpu.memref_squeeze %dma_start3A_24 : memref<1x125x80xi32, #tpu.memory_space<hbm>> -> memref<125x80xi32, #tpu.memory_space<hbm>>
      %dma_start3A_26 = arith.constant 0 : i32
      %dma_start3A_27 = arith.constant 0 : i32
      %dma_start3A_28 = tpu.memref_slice %arg3[%add3A, %dma_start3A_26, %dma_start3A_27] : memref<32x125x80xi32, #tpu.memory_space<hbm>> -> memref<1x125x80xi32, #tpu.memory_space<hbm>>
      %dma_start3A_29 = tpu.memref_squeeze %dma_start3A_28 : memref<1x125x80xi32, #tpu.memory_space<hbm>> -> memref<125x80xi32, #tpu.memory_space<hbm>>
      tpu.enqueue_dma source(%dma_start3A_29 : memref<125x80xi32, #tpu.memory_space<hbm>>) target(%arg7 : memref<125x80xi32, #tpu.memory_space<vmem>>) target_semaphore(%run_scoped3A_21 : memref<!tpu.dma_semaphore, #tpu.memory_space<semaphore_mem>>)
      %dma_wait3A_30 = arith.constant 0 : i32
      %dma_wait3A_31 = arith.constant 0 : i32
      %dma_wait3A_32 = tpu.memref_slice %arg3[%add3A, %dma_wait3A_30, %dma_wait3A_31] : memref<32x125x80xi32, #tpu.memory_space<hbm>> -> memref<1x125x80xi32, #tpu.memory_space<hbm>>
      %dma_wait3A_33 = tpu.memref_squeeze %dma_wait3A_32 : memref<1x125x80xi32, #tpu.memory_space<hbm>> -> memref<125x80xi32, #tpu.memory_space<hbm>>
      %dma_wait3A_34 = arith.constant 0 : i32
      %dma_wait3A_35 = arith.constant 0 : i32
      %dma_wait3A_36 = tpu.memref_slice %arg3[%add3A, %dma_wait3A_34, %dma_wait3A_35] : memref<32x125x80xi32, #tpu.memory_space<hbm>> -> memref<1x125x80xi32, #tpu.memory_space<hbm>>
      %dma_wait3A_37 = tpu.memref_squeeze %dma_wait3A_36 : memref<1x125x80xi32, #tpu.memory_space<hbm>> -> memref<125x80xi32, #tpu.memory_space<hbm>>
      tpu.wait_dma2 semaphore(%run_scoped3A_21 : memref<!tpu.dma_semaphore, #tpu.memory_space<semaphore_mem>>) src(%dma_wait3A_37 : memref<125x80xi32, #tpu.memory_space<hbm>>) dst(%arg7 : memref<125x80xi32, #tpu.memory_space<vmem>>)
      tpu.yield
    }) : () -> ()
    "tpu.region"() ({
      %run_scoped3A_21 = tpu.sem_alloc : memref<!tpu.dma_semaphore, #tpu.memory_space<semaphore_mem>>
      %dma_start3A_22 = arith.constant 0 : i32
      %dma_start3A_23 = arith.constant 0 : i32
      %dma_start3A_24 = tpu.memref_slice %arg4[%add3A, %dma_start3A_22, %dma_start3A_23] : memref<32x125x80xi32, #tpu.memory_space<hbm>> -> memref<1x125x80xi32, #tpu.memory_space<hbm>>
      %dma_start3A_25 = tpu.memref_squeeze %dma_start3A_24 : memref<1x125x80xi32, #tpu.memory_space<hbm>> -> memref<125x80xi32, #tpu.memory_space<hbm>>
      %dma_start3A_26 = arith.constant 0 : i32
      %dma_start3A_27 = arith.constant 0 : i32
      %dma_start3A_28 = tpu.memref_slice %arg4[%add3A, %dma_start3A_26, %dma_start3A_27] : memref<32x125x80xi32, #tpu.memory_space<hbm>> -> memref<1x125x80xi32, #tpu.memory_space<hbm>>
      %dma_start3A_29 = tpu.memref_squeeze %dma_start3A_28 : memref<1x125x80xi32, #tpu.memory_space<hbm>> -> memref<125x80xi32, #tpu.memory_space<hbm>>
      tpu.enqueue_dma source(%dma_start3A_29 : memref<125x80xi32, #tpu.memory_space<hbm>>) target(%arg8 : memref<125x80xi32, #tpu.memory_space<vmem>>) target_semaphore(%run_scoped3A_21 : memref<!tpu.dma_semaphore, #tpu.memory_space<semaphore_mem>>)
      %dma_wait3A_30 = arith.constant 0 : i32
      %dma_wait3A_31 = arith.constant 0 : i32
      %dma_wait3A_32 = tpu.memref_slice %arg4[%add3A, %dma_wait3A_30, %dma_wait3A_31] : memref<32x125x80xi32, #tpu.memory_space<hbm>> -> memref<1x125x80xi32, #tpu.memory_space<hbm>>
      %dma_wait3A_33 = tpu.memref_squeeze %dma_wait3A_32 : memref<1x125x80xi32, #tpu.memory_space<hbm>> -> memref<125x80xi32, #tpu.memory_space<hbm>>
      %dma_wait3A_34 = arith.constant 0 : i32
      %dma_wait3A_35 = arith.constant 0 : i32
      %dma_wait3A_36 = tpu.memref_slice %arg4[%add3A, %dma_wait3A_34, %dma_wait3A_35] : memref<32x125x80xi32, #tpu.memory_space<hbm>> -> memref<1x125x80xi32, #tpu.memory_space<hbm>>
      %dma_wait3A_37 = tpu.memref_squeeze %dma_wait3A_36 : memref<1x125x80xi32, #tpu.memory_space<hbm>> -> memref<125x80xi32, #tpu.memory_space<hbm>>
      tpu.wait_dma2 semaphore(%run_scoped3A_21 : memref<!tpu.dma_semaphore, #tpu.memory_space<semaphore_mem>>) src(%dma_wait3A_37 : memref<125x80xi32, #tpu.memory_space<hbm>>) dst(%arg8 : memref<125x80xi32, #tpu.memory_space<vmem>>)
      tpu.yield
    }) : () -> ()
    %barrier3A = arith.constant 0 : index
    tpu.barrier barrier_id(%barrier3A)
    %dma_start3A = arith.constant 0 : i32
    %dma_start3A_3 = arith.constant 0 : i32
    %dma_start3A_4 = tpu.memref_slice %arg7[%dma_start3A, %dma_start3A_3] : memref<125x80xi32, #tpu.memory_space<vmem>> -> memref<1x80xi32, #tpu.memory_space<vmem>>
    %dma_start3A_5 = tpu.memref_squeeze %dma_start3A_4 : memref<1x80xi32, #tpu.memory_space<vmem>> -> memref<80xi32, #tpu.memory_space<vmem>>
    %dma_start3A_6 = arith.constant 0 : i32
    %dma_start3A_7 = arith.constant 0 : i32
    %dma_start3A_8 = tpu.memref_slice %arg2[%dma_start3A_6, %dma_start3A_7] : memref<10240x64xf32, #tpu.memory_space<hbm>> -> memref<10240x64xf32, #tpu.memory_space<hbm>>
    tpu.enqueue_indirect_dma source(%dma_start3A_8 : memref<10240x64xf32, #tpu.memory_space<hbm>>) target(%arg9 : memref<80x64xf32, #tpu.memory_space<vmem>>) offsets(%dma_start3A_5 : memref<80xi32, #tpu.memory_space<vmem>>) semaphore(%arg12 : memref<!tpu.dma_semaphore, #tpu.memory_space<semaphore_mem>>)
    %scan3A = arith.constant 0 : i32
    %scan3A_9 = arith.constant 0 : i32
    %scan3A_10 = arith.constant 31 : i32
    %scan3A_11 = arith.addi %scan3A_9, %scan3A_10 : i32
    %scan3A_12 = arith.constant 1 : i32
    scf.for %scan3A_21 = %scan3A_9 to %scan3A_11 step %scan3A_12  : i32 {
      %mul3A_22 = arith.constant 4 : i32
      %mul3A_23 = arith.muli %mul3A_22, %scan3A_21 : i32
      %add3A_24 = arith.constant 1 : i32
      %add3A_25 = arith.addi %mul3A_23, %add3A_24 : i32
      %dma_start3A_26 = arith.constant 0 : i32
      %dma_start3A_27 = tpu.memref_slice %arg7[%add3A_25, %dma_start3A_26] : memref<125x80xi32, #tpu.memory_space<vmem>> -> memref<1x80xi32, #tpu.memory_space<vmem>>
      %dma_start3A_28 = tpu.memref_squeeze %dma_start3A_27 : memref<1x80xi32, #tpu.memory_space<vmem>> -> memref<80xi32, #tpu.memory_space<vmem>>
      %dma_start3A_29 = arith.constant 0 : i32
      %dma_start3A_30 = arith.constant 0 : i32
      %dma_start3A_31 = tpu.memref_slice %arg2[%dma_start3A_29, %dma_start3A_30] : memref<10240x64xf32, #tpu.memory_space<hbm>> -> memref<10240x64xf32, #tpu.memory_space<hbm>>
      tpu.enqueue_indirect_dma source(%dma_start3A_31 : memref<10240x64xf32, #tpu.memory_space<hbm>>) target(%arg10 : memref<80x64xf32, #tpu.memory_space<vmem>>) offsets(%dma_start3A_28 : memref<80xi32, #tpu.memory_space<vmem>>) semaphore(%arg13 : memref<!tpu.dma_semaphore, #tpu.memory_space<semaphore_mem>>)
      %dma_wait3A_32 = arith.constant 0 : i32
      %dma_wait3A_33 = tpu.memref_slice %arg7[%mul3A_23, %dma_wait3A_32] : memref<125x80xi32, #tpu.memory_space<vmem>> -> memref<1x80xi32, #tpu.memory_space<vmem>>
      %dma_wait3A_34 = tpu.memref_squeeze %dma_wait3A_33 : memref<1x80xi32, #tpu.memory_space<vmem>> -> memref<80xi32, #tpu.memory_space<vmem>>
      %dma_wait3A_35 = arith.constant 0 : i32
      %dma_wait3A_36 = arith.constant 0 : i32
      %dma_wait3A_37 = tpu.memref_slice %arg2[%dma_wait3A_35, %dma_wait3A_36] : memref<10240x64xf32, #tpu.memory_space<hbm>> -> memref<10240x64xf32, #tpu.memory_space<hbm>>
      tpu.wait_indirect_dma semaphore(%arg12 : memref<!tpu.dma_semaphore, #tpu.memory_space<semaphore_mem>>) src(%dma_wait3A_37 : memref<10240x64xf32, #tpu.memory_space<hbm>>) dst(%arg9 : memref<80x64xf32, #tpu.memory_space<vmem>>)
      "tpu.region"() ({
        %run_scoped3A_86 = tpu.sem_alloc : memref<!tpu.dma_semaphore, #tpu.memory_space<semaphore_mem>>
        %dma_start3A_87 = arith.constant 0 : i32
        %dma_start3A_88 = tpu.memref_slice %arg8[%mul3A_23, %dma_start3A_87] : memref<125x80xi32, #tpu.memory_space<vmem>> -> memref<1x80xi32, #tpu.memory_space<vmem>>
        %dma_start3A_89 = tpu.memref_squeeze %dma_start3A_88 : memref<1x80xi32, #tpu.memory_space<vmem>> -> memref<80xi32, #tpu.memory_space<vmem>>
        %dma_start3A_90 = arith.constant 0 : i32
        %dma_start3A_91 = arith.constant 0 : i32
        %dma_start3A_92 = tpu.memref_slice %arg11[%dma_start3A_90, %dma_start3A_91] : memref<10240x64xf32, #tpu.memory_space<vmem_shared>> -> memref<10240x64xf32, #tpu.memory_space<vmem_shared>>
        tpu.enqueue_indirect_dma source(%arg9 : memref<80x64xf32, #tpu.memory_space<vmem>>) target(%dma_start3A_92 : memref<10240x64xf32, #tpu.memory_space<vmem_shared>>) offsets(%dma_start3A_89 : memref<80xi32, #tpu.memory_space<vmem>>) semaphore(%run_scoped3A_86 : memref<!tpu.dma_semaphore, #tpu.memory_space<semaphore_mem>>) {add = true}
        %dma_wait3A_93 = arith.constant 0 : i32
        %dma_wait3A_94 = tpu.memref_slice %arg8[%mul3A_23, %dma_wait3A_93] : memref<125x80xi32, #tpu.memory_space<vmem>> -> memref<1x80xi32, #tpu.memory_space<vmem>>
        %dma_wait3A_95 = tpu.memref_squeeze %dma_wait3A_94 : memref<1x80xi32, #tpu.memory_space<vmem>> -> memref<80xi32, #tpu.memory_space<vmem>>
        %dma_wait3A_96 = arith.constant 0 : i32
        %dma_wait3A_97 = arith.constant 0 : i32
        %dma_wait3A_98 = tpu.memref_slice %arg11[%dma_wait3A_96, %dma_wait3A_97] : memref<10240x64xf32, #tpu.memory_space<vmem_shared>> -> memref<10240x64xf32, #tpu.memory_space<vmem_shared>>
        tpu.wait_indirect_dma semaphore(%run_scoped3A_86 : memref<!tpu.dma_semaphore, #tpu.memory_space<semaphore_mem>>) src(%arg9 : memref<80x64xf32, #tpu.memory_space<vmem>>) dst(%dma_wait3A_98 : memref<10240x64xf32, #tpu.memory_space<vmem_shared>>)
        tpu.yield
      }) : () -> ()
      %add3A_38 = arith.constant 2 : i32
      %add3A_39 = arith.addi %mul3A_23, %add3A_38 : i32
      %dma_start3A_40 = arith.constant 0 : i32
      %dma_start3A_41 = tpu.memref_slice %arg7[%add3A_39, %dma_start3A_40] : memref<125x80xi32, #tpu.memory_space<vmem>> -> memref<1x80xi32, #tpu.memory_space<vmem>>
      %dma_start3A_42 = tpu.memref_squeeze %dma_start3A_41 : memref<1x80xi32, #tpu.memory_space<vmem>> -> memref<80xi32, #tpu.memory_space<vmem>>
      %dma_start3A_43 = arith.constant 0 : i32
      %dma_start3A_44 = arith.constant 0 : i32
      %dma_start3A_45 = tpu.memref_slice %arg2[%dma_start3A_43, %dma_start3A_44] : memref<10240x64xf32, #tpu.memory_space<hbm>> -> memref<10240x64xf32, #tpu.memory_space<hbm>>
      tpu.enqueue_indirect_dma source(%dma_start3A_45 : memref<10240x64xf32, #tpu.memory_space<hbm>>) target(%arg9 : memref<80x64xf32, #tpu.memory_space<vmem>>) offsets(%dma_start3A_42 : memref<80xi32, #tpu.memory_space<vmem>>) semaphore(%arg12 : memref<!tpu.dma_semaphore, #tpu.memory_space<semaphore_mem>>)
      %dma_wait3A_46 = arith.constant 0 : i32
      %dma_wait3A_47 = tpu.memref_slice %arg7[%add3A_25, %dma_wait3A_46] : memref<125x80xi32, #tpu.memory_space<vmem>> -> memref<1x80xi32, #tpu.memory_space<vmem>>
      %dma_wait3A_48 = tpu.memref_squeeze %dma_wait3A_47 : memref<1x80xi32, #tpu.memory_space<vmem>> -> memref<80xi32, #tpu.memory_space<vmem>>
      %dma_wait3A_49 = arith.constant 0 : i32
      %dma_wait3A_50 = arith.constant 0 : i32
      %dma_wait3A_51 = tpu.memref_slice %arg2[%dma_wait3A_49, %dma_wait3A_50] : memref<10240x64xf32, #tpu.memory_space<hbm>> -> memref<10240x64xf32, #tpu.memory_space<hbm>>
      tpu.wait_indirect_dma semaphore(%arg13 : memref<!tpu.dma_semaphore, #tpu.memory_space<semaphore_mem>>) src(%dma_wait3A_51 : memref<10240x64xf32, #tpu.memory_space<hbm>>) dst(%arg10 : memref<80x64xf32, #tpu.memory_space<vmem>>)
      %add3A_52 = arith.constant 1 : i32
      %add3A_53 = arith.addi %mul3A_23, %add3A_52 : i32
      "tpu.region"() ({
        %run_scoped3A_86 = tpu.sem_alloc : memref<!tpu.dma_semaphore, #tpu.memory_space<semaphore_mem>>
        %dma_start3A_87 = arith.constant 0 : i32
        %dma_start3A_88 = tpu.memref_slice %arg8[%add3A_53, %dma_start3A_87] : memref<125x80xi32, #tpu.memory_space<vmem>> -> memref<1x80xi32, #tpu.memory_space<vmem>>
        %dma_start3A_89 = tpu.memref_squeeze %dma_start3A_88 : memref<1x80xi32, #tpu.memory_space<vmem>> -> memref<80xi32, #tpu.memory_space<vmem>>
        %dma_start3A_90 = arith.constant 0 : i32
        %dma_start3A_91 = arith.constant 0 : i32
        %dma_start3A_92 = tpu.memref_slice %arg11[%dma_start3A_90, %dma_start3A_91] : memref<10240x64xf32, #tpu.memory_space<vmem_shared>> -> memref<10240x64xf32, #tpu.memory_space<vmem_shared>>
        tpu.enqueue_indirect_dma source(%arg10 : memref<80x64xf32, #tpu.memory_space<vmem>>) target(%dma_start3A_92 : memref<10240x64xf32, #tpu.memory_space<vmem_shared>>) offsets(%dma_start3A_89 : memref<80xi32, #tpu.memory_space<vmem>>) semaphore(%run_scoped3A_86 : memref<!tpu.dma_semaphore, #tpu.memory_space<semaphore_mem>>) {add = true}
        %dma_wait3A_93 = arith.constant 0 : i32
        %dma_wait3A_94 = tpu.memref_slice %arg8[%add3A_53, %dma_wait3A_93] : memref<125x80xi32, #tpu.memory_space<vmem>> -> memref<1x80xi32, #tpu.memory_space<vmem>>
        %dma_wait3A_95 = tpu.memref_squeeze %dma_wait3A_94 : memref<1x80xi32, #tpu.memory_space<vmem>> -> memref<80xi32, #tpu.memory_space<vmem>>
        %dma_wait3A_96 = arith.constant 0 : i32
        %dma_wait3A_97 = arith.constant 0 : i32
        %dma_wait3A_98 = tpu.memref_slice %arg11[%dma_wait3A_96, %dma_wait3A_97] : memref<10240x64xf32, #tpu.memory_space<vmem_shared>> -> memref<10240x64xf32, #tpu.memory_space<vmem_shared>>
        tpu.wait_indirect_dma semaphore(%run_scoped3A_86 : memref<!tpu.dma_semaphore, #tpu.memory_space<semaphore_mem>>) src(%arg10 : memref<80x64xf32, #tpu.memory_space<vmem>>) dst(%dma_wait3A_98 : memref<10240x64xf32, #tpu.memory_space<vmem_shared>>)
        tpu.yield
      }) : () -> ()
      %add3A_54 = arith.constant 3 : i32
      %add3A_55 = arith.addi %mul3A_23, %add3A_54 : i32
      %dma_start3A_56 = arith.constant 0 : i32
      %dma_start3A_57 = tpu.memref_slice %arg7[%add3A_55, %dma_start3A_56] : memref<125x80xi32, #tpu.memory_space<vmem>> -> memref<1x80xi32, #tpu.memory_space<vmem>>
      %dma_start3A_58 = tpu.memref_squeeze %dma_start3A_57 : memref<1x80xi32, #tpu.memory_space<vmem>> -> memref<80xi32, #tpu.memory_space<vmem>>
      %dma_start3A_59 = arith.constant 0 : i32
      %dma_start3A_60 = arith.constant 0 : i32
      %dma_start3A_61 = tpu.memref_slice %arg2[%dma_start3A_59, %dma_start3A_60] : memref<10240x64xf32, #tpu.memory_space<hbm>> -> memref<10240x64xf32, #tpu.memory_space<hbm>>
      tpu.enqueue_indirect_dma source(%dma_start3A_61 : memref<10240x64xf32, #tpu.memory_space<hbm>>) target(%arg10 : memref<80x64xf32, #tpu.memory_space<vmem>>) offsets(%dma_start3A_58 : memref<80xi32, #tpu.memory_space<vmem>>) semaphore(%arg13 : memref<!tpu.dma_semaphore, #tpu.memory_space<semaphore_mem>>)
      %dma_wait3A_62 = arith.constant 0 : i32
      %dma_wait3A_63 = tpu.memref_slice %arg7[%add3A_39, %dma_wait3A_62] : memref<125x80xi32, #tpu.memory_space<vmem>> -> memref<1x80xi32, #tpu.memory_space<vmem>>
      %dma_wait3A_64 = tpu.memref_squeeze %dma_wait3A_63 : memref<1x80xi32, #tpu.memory_space<vmem>> -> memref<80xi32, #tpu.memory_space<vmem>>
      %dma_wait3A_65 = arith.constant 0 : i32
      %dma_wait3A_66 = arith.constant 0 : i32
      %dma_wait3A_67 = tpu.memref_slice %arg2[%dma_wait3A_65, %dma_wait3A_66] : memref<10240x64xf32, #tpu.memory_space<hbm>> -> memref<10240x64xf32, #tpu.memory_space<hbm>>
      tpu.wait_indirect_dma semaphore(%arg12 : memref<!tpu.dma_semaphore, #tpu.memory_space<semaphore_mem>>) src(%dma_wait3A_67 : memref<10240x64xf32, #tpu.memory_space<hbm>>) dst(%arg9 : memref<80x64xf32, #tpu.memory_space<vmem>>)
      %add3A_68 = arith.constant 2 : i32
      %add3A_69 = arith.addi %mul3A_23, %add3A_68 : i32
      "tpu.region"() ({
        %run_scoped3A_86 = tpu.sem_alloc : memref<!tpu.dma_semaphore, #tpu.memory_space<semaphore_mem>>
        %dma_start3A_87 = arith.constant 0 : i32
        %dma_start3A_88 = tpu.memref_slice %arg8[%add3A_69, %dma_start3A_87] : memref<125x80xi32, #tpu.memory_space<vmem>> -> memref<1x80xi32, #tpu.memory_space<vmem>>
        %dma_start3A_89 = tpu.memref_squeeze %dma_start3A_88 : memref<1x80xi32, #tpu.memory_space<vmem>> -> memref<80xi32, #tpu.memory_space<vmem>>
        %dma_start3A_90 = arith.constant 0 : i32
        %dma_start3A_91 = arith.constant 0 : i32
        %dma_start3A_92 = tpu.memref_slice %arg11[%dma_start3A_90, %dma_start3A_91] : memref<10240x64xf32, #tpu.memory_space<vmem_shared>> -> memref<10240x64xf32, #tpu.memory_space<vmem_shared>>
        tpu.enqueue_indirect_dma source(%arg9 : memref<80x64xf32, #tpu.memory_space<vmem>>) target(%dma_start3A_92 : memref<10240x64xf32, #tpu.memory_space<vmem_shared>>) offsets(%dma_start3A_89 : memref<80xi32, #tpu.memory_space<vmem>>) semaphore(%run_scoped3A_86 : memref<!tpu.dma_semaphore, #tpu.memory_space<semaphore_mem>>) {add = true}
        %dma_wait3A_93 = arith.constant 0 : i32
        %dma_wait3A_94 = tpu.memref_slice %arg8[%add3A_69, %dma_wait3A_93] : memref<125x80xi32, #tpu.memory_space<vmem>> -> memref<1x80xi32, #tpu.memory_space<vmem>>
        %dma_wait3A_95 = tpu.memref_squeeze %dma_wait3A_94 : memref<1x80xi32, #tpu.memory_space<vmem>> -> memref<80xi32, #tpu.memory_space<vmem>>
        %dma_wait3A_96 = arith.constant 0 : i32
        %dma_wait3A_97 = arith.constant 0 : i32
        %dma_wait3A_98 = tpu.memref_slice %arg11[%dma_wait3A_96, %dma_wait3A_97] : memref<10240x64xf32, #tpu.memory_space<vmem_shared>> -> memref<10240x64xf32, #tpu.memory_space<vmem_shared>>
        tpu.wait_indirect_dma semaphore(%run_scoped3A_86 : memref<!tpu.dma_semaphore, #tpu.memory_space<semaphore_mem>>) src(%arg9 : memref<80x64xf32, #tpu.memory_space<vmem>>) dst(%dma_wait3A_98 : memref<10240x64xf32, #tpu.memory_space<vmem_shared>>)
        tpu.yield
      }) : () -> ()
      %add3A_70 = arith.constant 4 : i32
      %add3A_71 = arith.addi %mul3A_23, %add3A_70 : i32
      %dma_start3A_72 = arith.constant 0 : i32
      %dma_start3A_73 = tpu.memref_slice %arg7[%add3A_71, %dma_start3A_72] : memref<125x80xi32, #tpu.memory_space<vmem>> -> memref<1x80xi32, #tpu.memory_space<vmem>>
      %dma_start3A_74 = tpu.memref_squeeze %dma_start3A_73 : memref<1x80xi32, #tpu.memory_space<vmem>> -> memref<80xi32, #tpu.memory_space<vmem>>
      %dma_start3A_75 = arith.constant 0 : i32
      %dma_start3A_76 = arith.constant 0 : i32
      %dma_start3A_77 = tpu.memref_slice %arg2[%dma_start3A_75, %dma_start3A_76] : memref<10240x64xf32, #tpu.memory_space<hbm>> -> memref<10240x64xf32, #tpu.memory_space<hbm>>
      tpu.enqueue_indirect_dma source(%dma_start3A_77 : memref<10240x64xf32, #tpu.memory_space<hbm>>) target(%arg9 : memref<80x64xf32, #tpu.memory_space<vmem>>) offsets(%dma_start3A_74 : memref<80xi32, #tpu.memory_space<vmem>>) semaphore(%arg12 : memref<!tpu.dma_semaphore, #tpu.memory_space<semaphore_mem>>)
      %dma_wait3A_78 = arith.constant 0 : i32
      %dma_wait3A_79 = tpu.memref_slice %arg7[%add3A_55, %dma_wait3A_78] : memref<125x80xi32, #tpu.memory_space<vmem>> -> memref<1x80xi32, #tpu.memory_space<vmem>>
      %dma_wait3A_80 = tpu.memref_squeeze %dma_wait3A_79 : memref<1x80xi32, #tpu.memory_space<vmem>> -> memref<80xi32, #tpu.memory_space<vmem>>
      %dma_wait3A_81 = arith.constant 0 : i32
      %dma_wait3A_82 = arith.constant 0 : i32
      %dma_wait3A_83 = tpu.memref_slice %arg2[%dma_wait3A_81, %dma_wait3A_82] : memref<10240x64xf32, #tpu.memory_space<hbm>> -> memref<10240x64xf32, #tpu.memory_space<hbm>>
      tpu.wait_indirect_dma semaphore(%arg13 : memref<!tpu.dma_semaphore, #tpu.memory_space<semaphore_mem>>) src(%dma_wait3A_83 : memref<10240x64xf32, #tpu.memory_space<hbm>>) dst(%arg10 : memref<80x64xf32, #tpu.memory_space<vmem>>)
      %add3A_84 = arith.constant 3 : i32
      %add3A_85 = arith.addi %mul3A_23, %add3A_84 : i32
      "tpu.region"() ({
        %run_scoped3A_86 = tpu.sem_alloc : memref<!tpu.dma_semaphore, #tpu.memory_space<semaphore_mem>>
        %dma_start3A_87 = arith.constant 0 : i32
        %dma_start3A_88 = tpu.memref_slice %arg8[%add3A_85, %dma_start3A_87] : memref<125x80xi32, #tpu.memory_space<vmem>> -> memref<1x80xi32, #tpu.memory_space<vmem>>
        %dma_start3A_89 = tpu.memref_squeeze %dma_start3A_88 : memref<1x80xi32, #tpu.memory_space<vmem>> -> memref<80xi32, #tpu.memory_space<vmem>>
        %dma_start3A_90 = arith.constant 0 : i32
        %dma_start3A_91 = arith.constant 0 : i32
        %dma_start3A_92 = tpu.memref_slice %arg11[%dma_start3A_90, %dma_start3A_91] : memref<10240x64xf32, #tpu.memory_space<vmem_shared>> -> memref<10240x64xf32, #tpu.memory_space<vmem_shared>>
        tpu.enqueue_indirect_dma source(%arg10 : memref<80x64xf32, #tpu.memory_space<vmem>>) target(%dma_start3A_92 : memref<10240x64xf32, #tpu.memory_space<vmem_shared>>) offsets(%dma_start3A_89 : memref<80xi32, #tpu.memory_space<vmem>>) semaphore(%run_scoped3A_86 : memref<!tpu.dma_semaphore, #tpu.memory_space<semaphore_mem>>) {add = true}
        %dma_wait3A_93 = arith.constant 0 : i32
        %dma_wait3A_94 = tpu.memref_slice %arg8[%add3A_85, %dma_wait3A_93] : memref<125x80xi32, #tpu.memory_space<vmem>> -> memref<1x80xi32, #tpu.memory_space<vmem>>
        %dma_wait3A_95 = tpu.memref_squeeze %dma_wait3A_94 : memref<1x80xi32, #tpu.memory_space<vmem>> -> memref<80xi32, #tpu.memory_space<vmem>>
        %dma_wait3A_96 = arith.constant 0 : i32
        %dma_wait3A_97 = arith.constant 0 : i32
        %dma_wait3A_98 = tpu.memref_slice %arg11[%dma_wait3A_96, %dma_wait3A_97] : memref<10240x64xf32, #tpu.memory_space<vmem_shared>> -> memref<10240x64xf32, #tpu.memory_space<vmem_shared>>
        tpu.wait_indirect_dma semaphore(%run_scoped3A_86 : memref<!tpu.dma_semaphore, #tpu.memory_space<semaphore_mem>>) src(%arg10 : memref<80x64xf32, #tpu.memory_space<vmem>>) dst(%dma_wait3A_98 : memref<10240x64xf32, #tpu.memory_space<vmem_shared>>)
        tpu.yield
      }) : () -> ()
    }
    %scan3A_13 = arith.constant 31 : i32
    %dma_wait3A = arith.constant 124 : i32
    %dma_wait3A_14 = arith.constant 0 : i32
    %dma_wait3A_15 = tpu.memref_slice %arg7[%dma_wait3A, %dma_wait3A_14] : memref<125x80xi32, #tpu.memory_space<vmem>> -> memref<1x80xi32, #tpu.memory_space<vmem>>
    %dma_wait3A_16 = tpu.memref_squeeze %dma_wait3A_15 : memref<1x80xi32, #tpu.memory_space<vmem>> -> memref<80xi32, #tpu.memory_space<vmem>>
    %dma_wait3A_17 = arith.constant 0 : i32
    %dma_wait3A_18 = arith.constant 0 : i32
    %dma_wait3A_19 = tpu.memref_slice %arg2[%dma_wait3A_17, %dma_wait3A_18] : memref<10240x64xf32, #tpu.memory_space<hbm>> -> memref<10240x64xf32, #tpu.memory_space<hbm>>
    tpu.wait_indirect_dma semaphore(%arg12 : memref<!tpu.dma_semaphore, #tpu.memory_space<semaphore_mem>>) src(%dma_wait3A_19 : memref<10240x64xf32, #tpu.memory_space<hbm>>) dst(%arg9 : memref<80x64xf32, #tpu.memory_space<vmem>>)
    %run_scoped3A = arith.constant 124 : i32
    "tpu.region"() ({
      %run_scoped3A_21 = tpu.sem_alloc : memref<!tpu.dma_semaphore, #tpu.memory_space<semaphore_mem>>
      %dma_start3A_22 = arith.constant 0 : i32
      %dma_start3A_23 = tpu.memref_slice %arg8[%run_scoped3A, %dma_start3A_22] : memref<125x80xi32, #tpu.memory_space<vmem>> -> memref<1x80xi32, #tpu.memory_space<vmem>>
      %dma_start3A_24 = tpu.memref_squeeze %dma_start3A_23 : memref<1x80xi32, #tpu.memory_space<vmem>> -> memref<80xi32, #tpu.memory_space<vmem>>
      %dma_start3A_25 = arith.constant 0 : i32
      %dma_start3A_26 = arith.constant 0 : i32
      %dma_start3A_27 = tpu.memref_slice %arg11[%dma_start3A_25, %dma_start3A_26] : memref<10240x64xf32, #tpu.memory_space<vmem_shared>> -> memref<10240x64xf32, #tpu.memory_space<vmem_shared>>
      tpu.enqueue_indirect_dma source(%arg9 : memref<80x64xf32, #tpu.memory_space<vmem>>) target(%dma_start3A_27 : memref<10240x64xf32, #tpu.memory_space<vmem_shared>>) offsets(%dma_start3A_24 : memref<80xi32, #tpu.memory_space<vmem>>) semaphore(%run_scoped3A_21 : memref<!tpu.dma_semaphore, #tpu.memory_space<semaphore_mem>>) {add = true}
      %dma_wait3A_28 = arith.constant 0 : i32
      %dma_wait3A_29 = tpu.memref_slice %arg8[%run_scoped3A, %dma_wait3A_28] : memref<125x80xi32, #tpu.memory_space<vmem>> -> memref<1x80xi32, #tpu.memory_space<vmem>>
      %dma_wait3A_30 = tpu.memref_squeeze %dma_wait3A_29 : memref<1x80xi32, #tpu.memory_space<vmem>> -> memref<80xi32, #tpu.memory_space<vmem>>
      %dma_wait3A_31 = arith.constant 0 : i32
      %dma_wait3A_32 = arith.constant 0 : i32
      %dma_wait3A_33 = tpu.memref_slice %arg11[%dma_wait3A_31, %dma_wait3A_32] : memref<10240x64xf32, #tpu.memory_space<vmem_shared>> -> memref<10240x64xf32, #tpu.memory_space<vmem_shared>>
      tpu.wait_indirect_dma semaphore(%run_scoped3A_21 : memref<!tpu.dma_semaphore, #tpu.memory_space<semaphore_mem>>) src(%arg9 : memref<80x64xf32, #tpu.memory_space<vmem>>) dst(%dma_wait3A_33 : memref<10240x64xf32, #tpu.memory_space<vmem_shared>>)
      tpu.yield
    }) : () -> ()
    %barrier3A_20 = arith.constant 0 : index
    tpu.barrier barrier_id(%barrier3A_20)
    "tpu.region"() ({
      %run_scoped3A_21 = tpu.sem_alloc : memref<!tpu.dma_semaphore, #tpu.memory_space<semaphore_mem>>
      %dma_start3A_22 = arith.constant 0 : i32
      %dma_start3A_23 = tpu.memref_slice %arg6[%arg0, %mul3A_2, %dma_start3A_22] : memref<2x10240x64xf32, #tpu.memory_space<hbm>> -> memref<1x640x64xf32, #tpu.memory_space<hbm>>
      %dma_start3A_24 = tpu.memref_squeeze %dma_start3A_23 : memref<1x640x64xf32, #tpu.memory_space<hbm>> -> memref<640x64xf32, #tpu.memory_space<hbm>>
      %dma_start3A_25 = arith.constant 0 : i32
      %dma_start3A_26 = tpu.memref_slice %arg11[%mul3A_2, %dma_start3A_25] : memref<10240x64xf32, #tpu.memory_space<vmem_shared>> -> memref<640x64xf32, #tpu.memory_space<vmem_shared>>
      tpu.enqueue_dma source(%dma_start3A_26 : memref<640x64xf32, #tpu.memory_space<vmem_shared>>) target(%dma_start3A_24 : memref<640x64xf32, #tpu.memory_space<hbm>>) target_semaphore(%run_scoped3A_21 : memref<!tpu.dma_semaphore, #tpu.memory_space<semaphore_mem>>)
      %dma_wait3A_27 = arith.constant 0 : i32
      %dma_wait3A_28 = tpu.memref_slice %arg6[%arg0, %mul3A_2, %dma_wait3A_27] : memref<2x10240x64xf32, #tpu.memory_space<hbm>> -> memref<1x640x64xf32, #tpu.memory_space<hbm>>
      %dma_wait3A_29 = tpu.memref_squeeze %dma_wait3A_28 : memref<1x640x64xf32, #tpu.memory_space<hbm>> -> memref<640x64xf32, #tpu.memory_space<hbm>>
      %dma_wait3A_30 = arith.constant 0 : i32
      %dma_wait3A_31 = tpu.memref_slice %arg11[%mul3A_2, %dma_wait3A_30] : memref<10240x64xf32, #tpu.memory_space<vmem_shared>> -> memref<640x64xf32, #tpu.memory_space<vmem_shared>>
      tpu.wait_dma2 semaphore(%run_scoped3A_21 : memref<!tpu.dma_semaphore, #tpu.memory_space<semaphore_mem>>) src(%dma_wait3A_31 : memref<640x64xf32, #tpu.memory_space<vmem_shared>>) dst(%dma_wait3A_29 : memref<640x64xf32, #tpu.memory_space<hbm>>)
      tpu.yield
    }) : () -> ()
    return
  }
}

module attributes {stable_mosaic.version = 14 : i64} {
  func.func @body(%arg0: i32, %arg1: memref<2x1024x136xf32, #tpu.memory_space<vmem>>, %arg2: memref<128x128xf32, #tpu.memory_space<vmem>>, %arg3: memref<1x128xf32, #tpu.memory_space<vmem>>, %arg4: memref<128x128xf32, #tpu.memory_space<vmem>>, %arg5: memref<1x128xf32, #tpu.memory_space<vmem>>, %arg6: memref<128x64xf32, #tpu.memory_space<vmem>>, %arg7: memref<128x64xf32, #tpu.memory_space<vmem>>, %arg8: memref<1024x64xf32, #tpu.memory_space<vmem>>, %arg9: memref<1024x1xf32, #tpu.memory_space<vmem>>) attributes {dimension_semantics = [#tpu.dimension_semantics<arbitrary>], iteration_bounds = array<i64: 10>, scalar_prefetch = 0 : i64, scratch_operands = 0 : i64, tpu.core_type = #tpu.core_type<tc>, window_params = [{transform_indices = @transform_0, window_bounds = array<i64: 2, 1024, 136>}, {pipeline_mode = #tpu.pipeline_mode<synchronous>, transform_indices = @transform_1, window_bounds = array<i64: 128, 128>}, {pipeline_mode = #tpu.pipeline_mode<synchronous>, transform_indices = @transform_2, window_bounds = array<i64: 1, 128>}, {pipeline_mode = #tpu.pipeline_mode<synchronous>, transform_indices = @transform_3, window_bounds = array<i64: 128, 128>}, {pipeline_mode = #tpu.pipeline_mode<synchronous>, transform_indices = @transform_4, window_bounds = array<i64: 1, 128>}, {pipeline_mode = #tpu.pipeline_mode<synchronous>, transform_indices = @transform_5, window_bounds = array<i64: 128, 64>}, {pipeline_mode = #tpu.pipeline_mode<synchronous>, transform_indices = @transform_6, window_bounds = array<i64: 128, 64>}, {transform_indices = @transform_7, window_bounds = array<i64: 1024, 64>}, {transform_indices = @transform_8, window_bounds = array<i64: 1024, 1>}]} {
    %get3A = arith.constant 0 : index
    %get3A_0 = arith.constant 0 : index
    %get3A_1 = arith.constant 0 : index
    %get3A_2 = vector.load %arg1[%get3A, %get3A_0, %get3A_1] : memref<2x1024x136xf32, #tpu.memory_space<vmem>>, vector<1x1024x136xf32>
    %get3A_3 = vector.shape_cast %get3A_2 : vector<1x1024x136xf32> to vector<1024x136xf32>
    %get3A_4 = arith.constant 1 : index
    %get3A_5 = arith.constant 0 : index
    %get3A_6 = arith.constant 0 : index
    %get3A_7 = vector.load %arg1[%get3A_4, %get3A_5, %get3A_6] : memref<2x1024x136xf32, #tpu.memory_space<vmem>>, vector<1x1024x136xf32>
    %get3A_8 = vector.shape_cast %get3A_7 : vector<1x1024x136xf32> to vector<1024x136xf32>
    %add3A = arith.addf %get3A_3, %get3A_8 : vector<1024x136xf32>
    %slice3A = vector.extract_strided_slice %add3A {offsets = [0, 128], sizes = [1024, 1], strides = [1, 1]} : vector<1024x136xf32> to vector<1024x1xf32>
    %max3A = arith.constant 1.000000e+00 : f32
    %max3A_9 = vector.broadcast %max3A : f32 to vector<1024x1xf32>
    %max3A_10 = arith.maximumf %slice3A, %max3A_9 : vector<1024x1xf32>
    %div3A = arith.constant 1.000000e+00 : f32
    %div3A_11 = vector.broadcast %div3A : f32 to vector<1024x1xf32>
    %div3A_12 = arith.divf %div3A_11, %max3A_10 : vector<1024x1xf32>
    %slice3A_13 = vector.extract_strided_slice %add3A {offsets = [0, 0], sizes = [1024, 128], strides = [1, 1]} : vector<1024x136xf32> to vector<1024x128xf32>
    %mul3A = vector.broadcast %div3A_12 : vector<1024x1xf32> to vector<1024x128xf32>
    %mul3A_14 = arith.mulf %slice3A_13, %mul3A : vector<1024x128xf32>
    %get3A_15 = arith.constant 0 : index
    %get3A_16 = arith.constant 0 : index
    %get3A_17 = vector.load %arg2[%get3A_15, %get3A_16] : memref<128x128xf32, #tpu.memory_space<vmem>>, vector<128x128xf32>
    %dot_general3A = arith.constant dense<0.000000e+00> : vector<1024x128xf32>
    %dot_general3A_18 = tpu.matmul %mul3A_14, %get3A_17, %dot_general3A {dimension_numbers = #tpu.dot_dimension_numbers<[1], [0], [0], [1], [0, 0, 1, 1], [], []>, transpose_lhs_hint = false} : vector<1024x128xf32>, vector<128x128xf32>, vector<1024x128xf32> -> vector<1024x128xf32>
    %get3A_19 = arith.constant 0 : index
    %get3A_20 = arith.constant 0 : index
    %get3A_21 = vector.load %arg3[%get3A_19, %get3A_20] : memref<1x128xf32, #tpu.memory_space<vmem>>, vector<1x128xf32>
    %add3A_22 = vector.broadcast %get3A_21 : vector<1x128xf32> to vector<1024x128xf32>
    %add3A_23 = arith.addf %dot_general3A_18, %add3A_22 : vector<1024x128xf32>
    %max3A_24 = arith.constant 0.000000e+00 : f32
    %max3A_25 = vector.broadcast %max3A_24 : f32 to vector<1024x128xf32>
    %max3A_26 = arith.maximumf %add3A_23, %max3A_25 : vector<1024x128xf32>
    %get3A_27 = arith.constant 0 : index
    %get3A_28 = arith.constant 0 : index
    %get3A_29 = vector.load %arg4[%get3A_27, %get3A_28] : memref<128x128xf32, #tpu.memory_space<vmem>>, vector<128x128xf32>
    %dot_general3A_30 = arith.constant dense<0.000000e+00> : vector<1024x128xf32>
    %dot_general3A_31 = tpu.matmul %mul3A_14, %get3A_29, %dot_general3A_30 {dimension_numbers = #tpu.dot_dimension_numbers<[1], [0], [0], [1], [0, 0, 1, 1], [], []>, transpose_lhs_hint = false} : vector<1024x128xf32>, vector<128x128xf32>, vector<1024x128xf32> -> vector<1024x128xf32>
    %get3A_32 = arith.constant 0 : index
    %get3A_33 = arith.constant 0 : index
    %get3A_34 = vector.load %arg5[%get3A_32, %get3A_33] : memref<1x128xf32, #tpu.memory_space<vmem>>, vector<1x128xf32>
    %add3A_35 = vector.broadcast %get3A_34 : vector<1x128xf32> to vector<1024x128xf32>
    %add3A_36 = arith.addf %dot_general3A_31, %add3A_35 : vector<1024x128xf32>
    %max3A_37 = arith.constant 0.000000e+00 : f32
    %max3A_38 = vector.broadcast %max3A_37 : f32 to vector<1024x128xf32>
    %max3A_39 = arith.maximumf %add3A_36, %max3A_38 : vector<1024x128xf32>
    %get3A_40 = arith.constant 0 : index
    %get3A_41 = arith.constant 0 : index
    %get3A_42 = vector.load %arg7[%get3A_40, %get3A_41] : memref<128x64xf32, #tpu.memory_space<vmem>>, vector<128x64xf32>
    %dot_general3A_43 = arith.constant dense<0.000000e+00> : vector<1024x64xf32>
    %dot_general3A_44 = tpu.matmul %max3A_39, %get3A_42, %dot_general3A_43 {dimension_numbers = #tpu.dot_dimension_numbers<[1], [0], [0], [1], [0, 0, 1, 1], [], []>, transpose_lhs_hint = false} : vector<1024x128xf32>, vector<128x64xf32>, vector<1024x64xf32> -> vector<1024x64xf32>
    %get3A_45 = arith.constant 0 : index
    %get3A_46 = arith.constant 0 : index
    %get3A_47 = vector.load %arg6[%get3A_45, %get3A_46] : memref<128x64xf32, #tpu.memory_space<vmem>>, vector<128x64xf32>
    %dot_general3A_48 = arith.constant dense<0.000000e+00> : vector<1024x64xf32>
    %dot_general3A_49 = tpu.matmul %max3A_26, %get3A_47, %dot_general3A_48 {dimension_numbers = #tpu.dot_dimension_numbers<[1], [0], [0], [1], [0, 0, 1, 1], [], []>, transpose_lhs_hint = false} : vector<1024x128xf32>, vector<128x64xf32>, vector<1024x64xf32> -> vector<1024x64xf32>
    %sub3A = arith.subf %dot_general3A_44, %dot_general3A_49 : vector<1024x64xf32>
    %swap3A = arith.constant 0 : index
    %swap3A_50 = arith.constant 0 : index
    %swap3A_51 = vector.load %arg8[%swap3A, %swap3A_50] : memref<1024x64xf32, #tpu.memory_space<vmem>>, vector<1024x64xf32>
    tpu.vector_store %arg8[%swap3A, %swap3A_50], %sub3A {strides = array<i32>} : memref<1024x64xf32, #tpu.memory_space<vmem>>, vector<1024x64xf32>,
    %swap3A_52 = arith.constant 0 : index
    %swap3A_53 = arith.constant 0 : index
    %swap3A_54 = vector.load %arg9[%swap3A_52, %swap3A_53] : memref<1024x1xf32, #tpu.memory_space<vmem>>, vector<1024x1xf32>
    tpu.vector_store %arg9[%swap3A_52, %swap3A_53], %div3A_12 {strides = array<i32>} : memref<1024x1xf32, #tpu.memory_space<vmem>>, vector<1024x1xf32>,
    return
  }
  func.func @transform_0(%arg0: i32) -> (i32, i32, i32) {
    %c0_i32 = arith.constant 0 : i32
    %c0_i32_0 = arith.constant 0 : i32
    %c0_i32_1 = arith.constant 0 : i32
    return %c0_i32, %arg0, %c0_i32_0 : i32, i32, i32
  }
  func.func @transform_1(%arg0: i32) -> (i32, i32) {
    %c0_i32 = arith.constant 0 : i32
    %c0_i32_0 = arith.constant 0 : i32
    %c0_i32_1 = arith.constant 0 : i32
    return %c0_i32, %c0_i32_0 : i32, i32
  }
  func.func @transform_2(%arg0: i32) -> (i32, i32) {
    %c0_i32 = arith.constant 0 : i32
    %c0_i32_0 = arith.constant 0 : i32
    %c0_i32_1 = arith.constant 0 : i32
    return %c0_i32, %c0_i32_0 : i32, i32
  }
  func.func @transform_3(%arg0: i32) -> (i32, i32) {
    %c0_i32 = arith.constant 0 : i32
    %c0_i32_0 = arith.constant 0 : i32
    %c0_i32_1 = arith.constant 0 : i32
    return %c0_i32, %c0_i32_0 : i32, i32
  }
  func.func @transform_4(%arg0: i32) -> (i32, i32) {
    %c0_i32 = arith.constant 0 : i32
    %c0_i32_0 = arith.constant 0 : i32
    %c0_i32_1 = arith.constant 0 : i32
    return %c0_i32, %c0_i32_0 : i32, i32
  }
  func.func @transform_5(%arg0: i32) -> (i32, i32) {
    %c0_i32 = arith.constant 0 : i32
    %c0_i32_0 = arith.constant 0 : i32
    %c0_i32_1 = arith.constant 0 : i32
    return %c0_i32, %c0_i32_0 : i32, i32
  }
  func.func @transform_6(%arg0: i32) -> (i32, i32) {
    %c0_i32 = arith.constant 0 : i32
    %c0_i32_0 = arith.constant 0 : i32
    %c0_i32_1 = arith.constant 0 : i32
    return %c0_i32, %c0_i32_0 : i32, i32
  }
  func.func @transform_7(%arg0: i32) -> (i32, i32) {
    %c0_i32 = arith.constant 0 : i32
    %c0_i32_0 = arith.constant 0 : i32
    return %arg0, %c0_i32 : i32, i32
  }
  func.func @transform_8(%arg0: i32) -> (i32, i32) {
    %c0_i32 = arith.constant 0 : i32
    %c0_i32_0 = arith.constant 0 : i32
    return %arg0, %c0_i32 : i32, i32
  }
}

module attributes {stable_mosaic.version = 14 : i64} {
  func.func @body(%arg0: i32, %arg1: memref<2x1000x64xf32, #tpu.memory_space<vmem>>, %arg2: memref<1000x1xf32, #tpu.memory_space<vmem>>, %arg3: memref<1x64xf32, #tpu.memory_space<vmem>>, %arg4: memref<1x1xf32, #tpu.memory_space<smem>>) attributes {dimension_semantics = [#tpu.dimension_semantics<arbitrary>], iteration_bounds = array<i64: 10>, scalar_prefetch = 0 : i64, scratch_operands = 0 : i64, tpu.core_type = #tpu.core_type<tc>, window_params = [{transform_indices = @transform_0, window_bounds = array<i64: 2, 1000, 64>}, {transform_indices = @transform_1, window_bounds = array<i64: 1000, 1>}, {pipeline_mode = #tpu.pipeline_mode<synchronous>, transform_indices = @transform_2, window_bounds = array<i64: 1, 64>}, {transform_indices = @transform_3, window_bounds = array<i64: 1, 1>}]} {
    %get3A = arith.constant 0 : index
    %get3A_0 = arith.constant 0 : index
    %get3A_1 = arith.constant 0 : index
    %get3A_2 = vector.load %arg1[%get3A, %get3A_0, %get3A_1] : memref<2x1000x64xf32, #tpu.memory_space<vmem>>, vector<1x1000x64xf32>
    %get3A_3 = vector.shape_cast %get3A_2 : vector<1x1000x64xf32> to vector<1000x64xf32>
    %get3A_4 = arith.constant 1 : index
    %get3A_5 = arith.constant 0 : index
    %get3A_6 = arith.constant 0 : index
    %get3A_7 = vector.load %arg1[%get3A_4, %get3A_5, %get3A_6] : memref<2x1000x64xf32, #tpu.memory_space<vmem>>, vector<1x1000x64xf32>
    %get3A_8 = vector.shape_cast %get3A_7 : vector<1x1000x64xf32> to vector<1000x64xf32>
    %add3A = arith.addf %get3A_3, %get3A_8 : vector<1000x64xf32>
    %get3A_9 = arith.constant 0 : index
    %get3A_10 = arith.constant 0 : index
    %get3A_11 = vector.load %arg2[%get3A_9, %get3A_10] : memref<1000x1xf32, #tpu.memory_space<vmem>>, vector<1000x1xf32>
    %mul3A = vector.broadcast %get3A_11 : vector<1000x1xf32> to vector<1000x64xf32>
    %mul3A_12 = arith.mulf %add3A, %mul3A : vector<1000x64xf32>
    %get3A_13 = arith.constant 0 : index
    %get3A_14 = arith.constant 0 : index
    %get3A_15 = vector.load %arg3[%get3A_13, %get3A_14] : memref<1x64xf32, #tpu.memory_space<vmem>>, vector<1x64xf32>
    %add3A_16 = vector.broadcast %get3A_15 : vector<1x64xf32> to vector<1000x64xf32>
    %add3A_17 = arith.addf %mul3A_12, %add3A_16 : vector<1000x64xf32>
    %mul3A_18 = arith.mulf %add3A_17, %add3A_17 : vector<1000x64xf32>
    %reduce_sum3A = vector.shape_cast %mul3A_18 : vector<1000x64xf32> to vector<1x1000x64xf32>
    %reduce_sum3A_19 = arith.constant dense<0.000000e+00> : vector<1xf32>
    %reduce_sum3A_20 = vector.multi_reduction <add>, %reduce_sum3A, %reduce_sum3A_19 [1, 2] : vector<1x1000x64xf32> to vector<1xf32>
    %reduce_sum3A_21 = vector.shape_cast %reduce_sum3A_20 : vector<1xf32> to vector<1x1x1xf32>
    %reduce_sum3A_22 = vector.extract %reduce_sum3A_21[0, 0, 0] : f32 from vector<1x1x1xf32>
    %eq3A = arith.constant 0 : i32
    %eq3A_23 = arith.cmpi eq, %arg0, %eq3A : i32
    %get3A_24 = arith.constant 0 : index
    %get3A_25 = arith.constant 0 : index
    %get3A_26 = memref.load %arg4[%get3A_24, %get3A_25] : memref<1x1xf32, #tpu.memory_space<smem>>
    %jit3A = arith.constant 0.000000e+00 : f32
    %select_n3A = arith.select %eq3A_23, %jit3A, %get3A_26 : f32
    %add3A_27 = arith.addf %select_n3A, %reduce_sum3A_22 : f32
    %eq3A_28 = arith.constant 9 : i32
    %eq3A_29 = arith.cmpi eq, %arg0, %eq3A_28 : i32
    %mul3A_30 = arith.constant 1.562500e-06 : f32
    %mul3A_31 = arith.mulf %add3A_27, %mul3A_30 : f32
    %select_n3A_32 = arith.select %eq3A_29, %mul3A_31, %add3A_27 : f32
    %swap3A = arith.constant 0 : index
    %swap3A_33 = arith.constant 0 : index
    %swap3A_34 = memref.load %arg4[%swap3A, %swap3A_33] : memref<1x1xf32, #tpu.memory_space<smem>>
    memref.store %select_n3A_32, %arg4[%swap3A, %swap3A_33] : memref<1x1xf32, #tpu.memory_space<smem>>
    return
  }
  func.func @transform_0(%arg0: i32) -> (i32, i32, i32) {
    %c0_i32 = arith.constant 0 : i32
    %c0_i32_0 = arith.constant 0 : i32
    %c0_i32_1 = arith.constant 0 : i32
    return %c0_i32, %arg0, %c0_i32_0 : i32, i32, i32
  }
  func.func @transform_1(%arg0: i32) -> (i32, i32) {
    %c0_i32 = arith.constant 0 : i32
    %c0_i32_0 = arith.constant 0 : i32
    return %arg0, %c0_i32 : i32, i32
  }
  func.func @transform_2(%arg0: i32) -> (i32, i32) {
    %c0_i32 = arith.constant 0 : i32
    %c0_i32_0 = arith.constant 0 : i32
    %c0_i32_1 = arith.constant 0 : i32
    return %c0_i32, %c0_i32_0 : i32, i32
  }
  func.func @transform_3(%arg0: i32) -> (i32, i32) {
    %c0_i32 = arith.constant 0 : i32
    %c0_i32_0 = arith.constant 0 : i32
    %c0_i32_1 = arith.constant 0 : i32
    return %c0_i32, %c0_i32_0 : i32, i32
  }
}

</mosaic_0001>

<sc_bundles>
// kernel: kernel.6.cloned.1.call-start
scs
__scs_entry_jumppad:
0x0: {  	(pc) =	sbr.rel $0x88, $3  }
0x1: {  	(tag) =	ssettag $0x0;
	lr =	simm.s32 $0x1  }
0x2: {  	[smem:$0x3F97] =	sst lr;
	_ =	strace $0xD0000000  }
0x3: {  	_ = 	snop  }
0x4: {  	_ = 	snop  }
0x5: {  	_ = 	snop  }
0x6: {  	_ = 	snop  }
0x7: {  	_ = 	snop  }
__scs_overlays_trampoline_lowered:
0x8: {  	[smem:$0x3FA6] =	sst s0  }
0x9: {  	[smem:$0x3FA7] =	sst s1  }
0xa: {  	[smem:$0x3FA8] =	sst s2  }
0xb: {  	[smem:$0x3FA9] =	sst s3  }
0xc: {  	[smem:$0x3FAA] =	sst s4  }
0xd: {  	[smem:$0x3FAB] =	sst s5  }
0xe: {  	[smem:$0x3FAC] =	sst s6  }
0xf: {  	[smem:$0x3FAD] =	sst s7  }
0x10: {  	[smem:$0x3FAE] =	sst s8  }
0x11: {  	[smem:$0x3FAF] =	sst s9;
	s0 =	simm.s32 @!p0 $0x0  }
0x12: {  	s1 =	sld [smem:$0x3F95];
	s0 =	simm.s32 @p0 $0x1  }
0x13: {  	[smem:$0x3FB0] =	sst s0;
	s0 =	simm.s32 @!p1 $0x0  }
0x14: {  	s2 =	sld [smem:$0x3F94];
	s0 =	simm.s32 @p1 $0x1  }
0x15: {  	[smem:$0x3FB1] =	sst s0;
	s0 =	simm.s32 @!p2 $0x0  }
0x16: {  	s3 =	sld [smem:$0x3FDB];
	s0 =	simm.s32 @p2 $0x1  }
0x17: {  	s4 =	simm.s32 $0x1BF5;
	[smem:$0x3FB3] =	sst s0  }
0x18: {  	s0 =	sld [smem:$0x3F96];
	_ =	swait.ge [sflag:s4], $0x0  }
0x19: {  	s7 =	sld [smem:$0x3F97]  }
0x1a: {  	s8 =	sadd.s32 $0xFFFFE003, lr  }
0x1b: {  	s9 =	sadd.s32 $0xFFFFFEF7, lr;
	s5 =	simm.s32 $0xFFFFFFFF;
	p2 =	slt.u32 s8, $0xFFFFF086  }
0x1c: {  	p1 =	slt.u32 s9, $0xF7A;
	s5 =	simm.s32 @!p2 $0x0  }
0x1d: {  	s5 =	simm.s32 @p1 $0x1;
	p0 =	seq.s32 s7, s2  }
0x1e: {  	s7 =	smul.u32 @!p0 $0xF7A, s2;
	p2 =	seq.s32 @!p0 s5, $0x0  }
0x1f: {  	s9 =	smul.u32 $0xF7A, s1;
	s8 =	simm.s32 @!p0 $0x1BF5;
	p2 =	por !p2, p0  }
0x20: {  	[sflag:s8] =	ssyncset.s32 @!p0 $0xFFFFF086;
	s6 =	sadd.s32 @!p0 s3, s7;
	s7 =	simm.s32 @!p0 $0x108  }
0x21: {  	s3 =	sadd.s32 s3, s9;
	s6 =	sadd.s32 @!p0 $0x88, s6;
	s7 =	simm.s32 @p2 $0x1082  }
0x22: {  	[simem:s7], [sflag:s8] =	dma.local @!p0 [hbm:s6], $0xF7A  }
0x23: {  	s9 =	sor.u32 $0xD0000000, s2;
	s6 =	simm.s32 $0x108;
	_ =	swait.ge @!p0 [sflag:s8], $0x0  }
0x24: {  	s3 =	sadd.s32 $0x88, s3;
	s6 =	simm.s32 @!p1 $0x1082;
	[sflag:s4] =	ssyncset.s32 $0xFFFFF086  }
0x25: {  	[simem:s6], [sflag:s4] =	dma.local [hbm:s3], $0xF7A  }
0x26: {  	[smem:$0x3F97] =	sst s1;
	(tag) =	ssettag s2;
	_ =	strace s9  }
0x27: {  	s1 =	sld [smem:$0x3FA7]  }
0x28: {  	s2 =	sld [smem:$0x3FA8]  }
0x29: {  	s4 =	sld [smem:$0x3FAA]  }
0x2a: {  	p0 =	seq.s32 s5, $0x0;
	s5 =	sld [smem:$0x3FAB]  }
0x2b: {  	s6 =	sld [smem:$0x3FAC]  }
0x2c: {  	s7 =	sld [smem:$0x3FAD]  }
0x2d: {  	s3 =	simm.s32 $0x108;
	s8 =	sld [smem:$0x3FAE]  }
0x2e: {  	s3 =	simm.s32 @!p0 $0x1082;
	s9 =	sld [smem:$0x3FAF]  }
0x2f: {  	lr =	sadd.s32 s0, s3;
	s0 =	sld [smem:$0x3FA6]  }
0x30: {  	s3 =	sld [smem:$0x3FA9]  }
0x31: {  	[smem:$0x3FB2] =	sst s10  }
0x32: {  	s10 =	sld [smem:$0x3FB0];
	_ =	sdelay $0x3  }
0x33: {  	p0 =	seq.s32 s10, $0x1;
	s10 =	sld [smem:$0x3FB2];
	_ =	sdelay $0x3  }
0x34: {  	[smem:$0x3FB2] =	sst s10  }
0x35: {  	s10 =	sld [smem:$0x3FB1];
	_ =	sdelay $0x3  }
0x36: {  	p1 =	seq.s32 s10, $0x1;
	s10 =	sld [smem:$0x3FB2];
	_ =	sdelay $0x3  }
0x37: {  	[smem:$0x3FB2] =	sst s10  }
0x38: {  	s10 =	sld [smem:$0x3FB3]  }
0x39: {  	_ = 	snop;
	(pc) =	sbr.ind lr, $3  }
0x3a: {  	_ = 	snop  }
0x3b: {  	_ = 	snop  }
0x3c: {  	p2 =	seq.s32 s10, $0x1;
	s10 =	sld [smem:$0x3FB2]  }
0x3d: {  	_ =	shalt  }
0x3e: {  	_ =	shalt  }
0x3f: {  	_ =	shalt  }
0x40: {  	_ =	shalt  }
0x41: {  	_ =	shalt  }
0x42: {  	_ =	shalt  }
0x43: {  	_ =	shalt  }
0x44: {  	_ =	shalt  }
0x45: {  	_ =	shalt  }
0x46: {  	_ =	shalt  }
0x47: {  	_ =	shalt  }
0x48: {  	_ =	shalt  }
0x49: {  	_ =	shalt  }
0x4a: {  	_ =	shalt  }
0x4b: {  	_ =	shalt  }
0x4c: {  	_ =	shalt  }
0x4d: {  	_ =	shalt  }
0x4e: {  	_ =	shalt  }
0x4f: {  	_ =	shalt  }
0x50: {  	_ =	shalt  }
0x51: {  	_ =	shalt  }
0x52: {  	_ =	shalt  }
0x53: {  	_ =	shalt  }
0x54: {  	_ =	shalt  }
0x55: {  	_ =	shalt  }
0x56: {  	_ =	shalt  }
0x57: {  	_ =	shalt  }
0x58: {  	_ =	shalt  }
0x59: {  	_ =	shalt  }
0x5a: {  	_ =	shalt  }
0x5b: {  	_ =	shalt  }
0x5c: {  	_ =	shalt  }
0x5d: {  	_ =	shalt  }
0x5e: {  	_ =	shalt  }
0x5f: {  	_ =	shalt  }
0x60: {  	_ =	shalt  }
0x61: {  	_ =	shalt  }
0x62: {  	_ =	shalt  }
0x63: {  	_ =	shalt  }
0x64: {  	_ =	shalt  }
0x65: {  	_ =	shalt  }
0x66: {  	_ =	shalt  }
0x67: {  	_ =	shalt  }
0x68: {  	_ =	shalt  }
0x69: {  	_ =	shalt  }
0x6a: {  	_ =	shalt  }
0x6b: {  	_ =	shalt  }
0x6c: {  	_ =	shalt  }
0x6d: {  	_ =	shalt  }
0x6e: {  	_ =	shalt  }
0x6f: {  	_ =	shalt  }
0x70: {  	_ =	shalt  }
0x71: {  	_ =	shalt  }
0x72: {  	_ =	shalt  }
0x73: {  	_ =	shalt  }
0x74: {  	_ =	shalt  }
0x75: {  	_ =	shalt  }
0x76: {  	_ =	shalt  }
0x77: {  	_ =	shalt  }
0x78: {  	_ =	shalt  }
0x79: {  	_ =	shalt  }
0x7a: {  	_ =	shalt  }
0x7b: {  	_ =	shalt  }
0x7c: {  	_ =	shalt  }
0x7d: {  	_ =	shalt  }
0x7e: {  	_ =	shalt  }
0x7f: {  	_ =	shalt  }
0x80: {  	_ =	shalt  }
0x81: {  	_ =	shalt  }
0x82: {  	_ =	shalt  }
0x83: {  	_ =	shalt  }
0x84: {  	_ =	shalt  }
0x85: {  	_ =	shalt  }
0x86: {  	_ =	shalt  }
0x87: {  	_ =	shalt  }
.Lfunc_end0:
.L_simem_size_0:
called_computation_lowered:
.L_overlay_start_0:
0x88: {  	s2 =	sld [smem:$0x3FD9]  }
0x89: {  	s3 =	sld [smem:$0x3FFE];
	_ =	sdelay $0x1  }
0x8a: {  	s1 =	srdreg.scid  }
0x8b: {  	s0 =	sand.u32 $0x1, s1  }
0x8c: {  	s16 =	sshll.u32 s0, $0xA;
	s2 =	sadd.s32 s3, s2  }
0x8d: {  	s2 =	sadd.s32 s2, s16  }
0x8e: {  	[smem:$0x3FBE] =	sst s2  }
0x8f: {  	_ = 	snop  }
0x90: {  	(tm) =	ssettm $0x1  }
0x91: {  	s17 =	sld [smem:$0x3FFB];
	_ =	sdelay $0x3  }
0x92: {  	_ =	strace s17  }
0x93: {  	s2 =	sld [smem:$0x3FFC];
	_ =	sdelay $0x3  }
0x94: {  	_ =	strace s2  }
0x95: {  	s2 =	sld [smem:$0x3FFD];
	_ =	sdelay $0x3  }
0x96: {  	_ =	strace s2  }
0x97: {  	_ =	strace $0x8FFFFFFF  }
0x98: {  	s18 =	sld [smem:$0x3FDB];
	_ =	sdelay $0x1  }
0x99: {  	s19 =	simm.s32 $_scs_section_size  }
0x9a: {  	s4 =	simm.s32 $_size__tile_overlayer_lowered;
	s5 =	simm.s32 $_tile_overlayer_lowered  }
0x9b: {  	s22 =	simm.s32 $0x1BFF;
	s21 =	sshll.u32 s5, $0x1;
	s2 =	sadd.s32 s19, s18  }
0x9c: {  	s6 =	simm.s32 $0x0;
	s20 =	sshll.u32 s4, $0x1;
	s4 =	sadd.s32 s21, s2  }
0x9d: {  	[timem:s6], [sflag:s22] =	dma.local [hbm:s4], s20  }
0x9e: {  	_ =	swait.ge [sflag:s22], s20  }
0x9f: {  	s3 =	ssub.s32 $0x0, s20;
	[sflag:s22] =	ssyncset.done $0x0  }
0xa0: {  	[sflag:s22] =	ssyncadd.s32 s3;
	_ =	sdelay $0x1  }
0xa1: {  	s23 =	simm.s32 $0x1B8B  }
0xa2: {  	_ =	swait.ge [sflag:s23], $0x1  }
0xa3: {  	[sflag:s23] =	ssyncset.done $0x0  }
0xa4: {  	s25 =	simm.s32 $0x1B8E;
	s24 =	sld [smem:$0x3FFE];
	[sflag:s23] =	ssyncadd.s32 $0xFFFFFFFF  }
0xa5: {  	s26 =	simm.s32 $execute0_lowered;
	[smem:$0x3FD2] =	sst s25  }
0xa6: {  	s4 =	sshll.u32 s26, $0x1;
	_ =	strace $0x80000046;
	[dreg:$0x1] =	wrdreg $0xFFFFFFFF  }
0xa7: {  	s28 =	simm.s32 $_size_execute0_lowered;
	s2 =	sadd.s32 s2, s4;
	[dreg:$0x0] =	wrdreg $0x0  }
0xa8: {  	s4 =	sshll.u32 s28, $0x1;
	[dreg:$0x2] =	wrdreg s2  }
0xa9: {  	[dreg:$0x3] =	wrdreg s4  }
0xaa: {  	[dreg:$0x4] =	wrdreg $0xC0  }
0xab: {  	_ =	task [dreg:s6], $0x5FFFF  }
0xac: {  	[dreg:$0x1] =	wrdreg $0xFFFFFFFF  }
0xad: {  	[dreg:$0x0] =	wrdreg $0x60  }
0xae: {  	[dreg:$0x2] =	wrdreg s24  }
0xaf: {  	[dreg:$0x3] =	wrdreg $0xA3200  }
0xb0: {  	[dreg:$0x4] =	wrdreg $0x9  }
0xb1: {  	_ =	task.clear_ibuf [dreg:s6], $0x5FFFF;
	_ =	strace $0x90000046  }
0xb2: {  	s29 =	simm.s32 $0x9;
	_ =	strace $0x80000048  }
0xb3: {  	_ =	swait.ge [sflag:s29], $0x1  }
0xb4: {  	[sflag:s29] =	ssyncadd.s32 $0xFFFFFFFF  }
0xb5: {  	_ =	strace $0x90000048  }
0xb6: {  	_ =	sfence  }
0xb7: {  	s30 =	sld [smem:$0x0];
	_ =	sdelay $0x2  }
0xb8: {  	s31 =	sshll.u32 s1, $0xD;
	s1 =	sshrl.u32 s1, $0x2  }
0xb9: {  	s3 =	sand.u32 $0x4000, s31;
	s1 =	sadd.s32 s1, s30  }
0xba: {  	s0 =	sor.u32 s3, s0;
	s1 =	sshll.u32 s1, $0x11  }
0xbb: {  	s0 =	sor.u32 s1, s0  }
0xbc: {  	s0 =	sadd.s32 $0x8F2B, s0  }
0xbd: {  	[sflag:s0] =	ssyncadd.remote.s32 $0x1  }
0xbe: {  	_ =	sfence.sel $0xFFFF  }
0xbf: {  	[dreg:$0x0] =	wrdreg $0xFFFFFFFF;
	(pc) =	sbr.abs _section_cstart, $3  }
0xc0: {  	[dreg:$0x1] =	wrdreg $0xFFFFFFFF  }
0xc1: {  	_ =	task.clear_ibuf [dreg:s6], $0x2FFFF;
	_ =	strace $0x9FFFFFFF  }
0xc2: {  	(tm) =	ssettm $0x7FFFFFFF  }
0xc3: {  	_ =	shalt  }
tec
execute0_lowered:
.L_overlay_start_1:
0x0: {  	(tag) =	ssettag $0x1  }
0x1: {  	s6 =	rddreg [dreg:$0x0]  }
0x2: {  	s0 =	srdreg.scid;
	s2 =	rddreg [dreg:$0x1]  }
0x3: {  	s3 =	simm.s32 $0x0;
	s14 =	simm.s32 $0x50;
	s15 =	simm.s32 $0x4E20  }
0x4: {  	s16 =	simm.s32 $0x78A0;
	s17 =	simm.s32 $0x1;
	s18 =	simm.s32 $0x2  }
0x5: {  	s19 =	simm.s32 $0x4DD0;
	s5 =	sand.u32 $0x1, s0;
	s0 =	stileid.u32  }
0x6: {  	s20 =	simm.s32 $0x0;
	[smem:$0x7FF] =	sst s3;
	s8 =	smul.u32 $0x15400, s0  }
0x7: {  	s4 =	sadd.s32 $0x15000, s6;
	s1 =	sshll.u32 s5, $0x4;
	s9 =	smul.u32 $0x154000, s5  }
0x8: {  	s5 =	ssub.s32 $0x2, s5;
	s31 =	sshll.u32 s0, $0x6;
	s1 =	sor.u32 s0, s1  }
0x9: {  	s11 =	sshrl.u32 s5, $0x1;
	s7 =	smul.u32 $0x4E2, s1;
	s1 =	rddreg [dreg:$0x2]  }
0xa: {  	_ =	strace $0x80000047;
	s29 =	sadd.s32 s8, s9;
	s30 =	sshrl.u32 s8, $0x3  }
0xb: {  	s11 =	ssub.s32 s5, s11;
	s13 =	sadd.s32 s8, s2;
	s9 =	sadd.s32 s30, s6  }
0xc: {  	s10 =	sadd.s32 s7, s6;
	s7 =	sshrl.u32 s29, $0x3;
	s5 =	sadd.s32 $0x3EA00, s9  }
0xd: {  	s12 =	sadd.s32 s7, s6;
	s6 =	sor.u32 $0x1C03, s31;
	s7 =	sadd.s32 $0xB200, s10  }
0xe: {  	s8 =	sadd.s32 $0x1400, s10;
	s10 =	smax.u32 s11, $0x1;
	s11 =	sshrl.u32 s13, $0x3  }
0xf: {  	s13 =	simm.s32 $0x2710;
	s9 =	sadd.s32 $0x69200, s12;
	s12 =	simm.s32 $0x3  }
.LBB2_1:
0x10: {  	[spmem:s11], [sflag:s6] =	dma.local [hbm:s5], $0x2A80  }
0x11: {  	_ =	swait.ge [sflag:s12], $0x2A80  }
0x12: {  	[sflag:s12] =	ssyncset.done $0x0  }
0x13: {  	[sflag:s12] =	ssyncadd.s32 $0xFFFFD580  }
0x14: {  	[tilespmem:s3], [sflag:$0x3] =	stream.linear.gather [hbm4b:s7+s3], $0x2710, $0x38;
	[tilespmem:$0x1F720] =	vst v63  }
0x15: {  	_ =	swait.ge [sflag:s12], $0x2710  }
0x16: {  	[sflag:s12] =	ssyncset.done $0x0  }
0x17: {  	[sflag:s12] =	ssyncadd.s32 $0xFFFFD8F0  }
0x18: {  	[tilespmem:s13], [sflag:$0x3] =	stream.linear.gather [hbm4b:s8+s3], $0x2710, $0x38;
	[tilespmem:$0x1F720] =	vst v63  }
0x19: {  	_ =	swait.ge [sflag:s12], $0x2710  }
0x1a: {  	[sflag:s12] =	ssyncset.done $0x0  }
0x1b: {  	[sflag:s12] =	ssyncadd.s32 $0xFFFFD8F0  }
0x1c: {  	[bflag:$0x0] =	sbarrier.arrive $0xFFFF  }
0x1d: {  	[tilespmem:s15], [sflag:$0x1] =	stream.indirect.gather [hbm4b:s4+s14], $0x88, s3, s14, $0xb8;
	[tilespmem:$0x1F720] =	vst v63  }
0x1e: {  	s21 =	simm.s32 $0x50  }
0x1f: {  	[tilespmem:s16], [sflag:$0x2] =	stream.indirect.gather [hbm4b:s4+s14], $0x88, s21, s14, $0xb8;
	[tilespmem:$0x1F720] =	vst v63  }
0x20: {  	_ =	swait.ge [sflag:s17], $0x2A80  }
0x21: {  	[sflag:s17] =	ssyncset.done $0x0  }
0x22: {  	s24 =	simm.s32 $0x2710;
	[sflag:s17] =	ssyncadd.s32 $0xFFFFD580  }
0x23: {  	[spmem:s2] =	stream.indirect.scatter.add.f32 [tilespmem:s15], [sflag:$0x3], $0x88, s24, s14, $0xb8;
	[tilespmem:$0x1F720] =	vst v63  }
0x24: {  	_ =	swait.ge [sflag:s12], $0x2A80  }
0x25: {  	[sflag:s12] =	ssyncset.done $0x0  }
0x26: {  	s25 =	simm.s32 $0xA0;
	[sflag:s12] =	ssyncadd.s32 $0xFFFFD580  }
0x27: {  	[tilespmem:s15], [sflag:$0x1] =	stream.indirect.gather [hbm4b:s4+s14], $0x88, s25, s14, $0xb8;
	[tilespmem:$0x1F720] =	vst v63  }
0x28: {  	_ =	swait.ge [sflag:s18], $0x2A80  }
0x29: {  	[sflag:s18] =	ssyncset.done $0x0  }
0x2a: {  	s26 =	simm.s32 $0x2760;
	[sflag:s18] =	ssyncadd.s32 $0xFFFFD580  }
0x2b: {  	[spmem:s2] =	stream.indirect.scatter.add.f32 [tilespmem:s16], [sflag:$0x3], $0x88, s26, s14, $0xb8;
	[tilespmem:$0x1F720] =	vst v63  }
0x2c: {  	_ =	swait.ge [sflag:s12], $0x2A80  }
0x2d: {  	[sflag:s12] =	ssyncset.done $0x0  }
0x2e: {  	s28 =	simm.s32 $0xF0;
	[sflag:s12] =	ssyncadd.s32 $0xFFFFD580  }
0x2f: {  	[tilespmem:s16], [sflag:$0x2] =	stream.indirect.gather [hbm4b:s4+s14], $0x88, s28, s14, $0xb8;
	[tilespmem:$0x1F720] =	vst v63  }
0x30: {  	_ =	swait.ge [sflag:s17], $0x2A80  }
0x31: {  	[sflag:s17] =	ssyncset.done $0x0  }
0x32: {  	s29 =	simm.s32 $0x27B0;
	[sflag:s17] =	ssyncadd.s32 $0xFFFFD580  }
0x33: {  	[spmem:s2] =	stream.indirect.scatter.add.f32 [tilespmem:s15], [sflag:$0x3], $0x88, s29, s14, $0xb8;
	[tilespmem:$0x1F720] =	vst v63  }
0x34: {  	_ =	swait.ge [sflag:s12], $0x2A80  }
0x35: {  	[sflag:s12] =	ssyncset.done $0x0  }
0x36: {  	s30 =	simm.s32 $0x140;
	[sflag:s12] =	ssyncadd.s32 $0xFFFFD580  }
0x37: {  	[tilespmem:s15], [sflag:$0x1] =	stream.indirect.gather [hbm4b:s4+s14], $0x88, s30, s14, $0xb8;
	[tilespmem:$0x1F720] =	vst v63  }
0x38: {  	_ =	swait.ge [sflag:s18], $0x2A80  }
0x39: {  	[sflag:s18] =	ssyncset.done $0x0  }
0x3a: {  	s31 =	simm.s32 $0x2800;
	[sflag:s18] =	ssyncadd.s32 $0xFFFFD580  }
0x3b: {  	[spmem:s2] =	stream.indirect.scatter.add.f32 [tilespmem:s16], [sflag:$0x3], $0x88, s31, s14, $0xb8;
	[tilespmem:$0x1F720] =	vst v63  }
0x3c: {  	_ =	swait.ge [sflag:s12], $0x2A80  }
0x3d: {  	s21 =	simm.s32 $0x140;
	s24 =	simm.s32 $0xA00;
	[sflag:s12] =	ssyncset.done $0x0  }
.LBB2_2:
0x3e: {  	s25 =	sadd.s32 $0x50, s21  }
0x3f: {  	[sflag:s12] =	ssyncadd.s32 $0xFFFFD580;
	s23 =	smov.u32 s24;
	s22 =	sadd.s32 $0x500, s24  }
0x40: {  	[tilespmem:s16], [sflag:$0x2] =	stream.indirect.gather [hbm4b:s4+s14], $0x88, s25, s14, $0xb8;
	[tilespmem:$0x1F720] =	vst v63  }
0x41: {  	p0 =	sne.s32 s24, $0x9600;
	_ =	swait.ge [sflag:s17], $0x2A80  }
0x42: {  	[sflag:s17] =	ssyncset.done $0x0  }
0x43: {  	s24 =	sadd.s32 $0x2710, s21;
	[sflag:s17] =	ssyncadd.s32 $0xFFFFD580  }
0x44: {  	[spmem:s2] =	stream.indirect.scatter.add.f32 [tilespmem:s15], [sflag:$0x3], $0x88, s24, s14, $0xb8;
	[tilespmem:$0x1F720] =	vst v63  }
0x45: {  	_ =	swait.ge [sflag:s12], $0x2A80  }
0x46: {  	[sflag:s12] =	ssyncset.done $0x0  }
0x47: {  	s24 =	sadd.s32 $0xA0, s21;
	[sflag:s12] =	ssyncadd.s32 $0xFFFFD580  }
0x48: {  	[tilespmem:s15], [sflag:$0x1] =	stream.indirect.gather [hbm4b:s4+s14], $0x88, s24, s14, $0xb8;
	[tilespmem:$0x1F720] =	vst v63  }
0x49: {  	_ =	swait.ge [sflag:s18], $0x2A80  }
0x4a: {  	[sflag:s18] =	ssyncset.done $0x0  }
0x4b: {  	s24 =	sadd.s32 $0x2760, s21;
	[sflag:s18] =	ssyncadd.s32 $0xFFFFD580  }
0x4c: {  	[spmem:s2] =	stream.indirect.scatter.add.f32 [tilespmem:s16], [sflag:$0x3], $0x88, s24, s14, $0xb8;
	[tilespmem:$0x1F720] =	vst v63  }
0x4d: {  	_ =	swait.ge [sflag:s12], $0x2A80  }
0x4e: {  	[sflag:s12] =	ssyncset.done $0x0  }
0x4f: {  	s24 =	sadd.s32 $0xF0, s21;
	[sflag:s12] =	ssyncadd.s32 $0xFFFFD580  }
0x50: {  	[tilespmem:s16], [sflag:$0x2] =	stream.indirect.gather [hbm4b:s4+s14], $0x88, s24, s14, $0xb8;
	[tilespmem:$0x1F720] =	vst v63  }
0x51: {  	_ =	swait.ge [sflag:s17], $0x2A80  }
0x52: {  	[sflag:s17] =	ssyncset.done $0x0  }
0x53: {  	s24 =	sadd.s32 $0x27B0, s21;
	[sflag:s17] =	ssyncadd.s32 $0xFFFFD580  }
0x54: {  	[spmem:s2] =	stream.indirect.scatter.add.f32 [tilespmem:s15], [sflag:$0x3], $0x88, s24, s14, $0xb8;
	[tilespmem:$0x1F720] =	vst v63  }
0x55: {  	_ =	swait.ge [sflag:s12], $0x2A80  }
0x56: {  	[sflag:s12] =	ssyncset.done $0x0  }
0x57: {  	s24 =	sadd.s32 $0x140, s21;
	[sflag:s12] =	ssyncadd.s32 $0xFFFFD580  }
0x58: {  	[tilespmem:s15], [sflag:$0x1] =	stream.indirect.gather [hbm4b:s4+s14], $0x88, s24, s14, $0xb8;
	[tilespmem:$0x1F720] =	vst v63  }
0x59: {  	_ =	swait.ge [sflag:s18], $0x2A80  }
.Ltmp0:
0x5a: {  	[sflag:s18] =	ssyncset.done $0x0;
	(pc) =	sbr.rel @p0 .LBB2_2-.Ltmp0, $4  }
0x5b: {  	s21 =	sadd.s32 $0x2800, s21;
	[sflag:s18] =	ssyncadd.s32 $0xFFFFD580  }
0x5c: {  	[spmem:s2] =	stream.indirect.scatter.add.f32 [tilespmem:s16], [sflag:$0x3], $0x88, s21, s14, $0xb8;
	[tilespmem:$0x1F720] =	vst v63  }
0x5d: {  	_ =	swait.ge [sflag:s12], $0x2A80  }
0x5e: {  	s24 =	smov.u32 s22;
	s21 =	sshra.s32 s23, $0x2;
	[sflag:s12] =	ssyncset.done $0x0  }
0x5f: {  	s22 =	sadd.s32 $0x50, s21;
	[sflag:s12] =	ssyncadd.s32 $0xFFFFD580  }
0x60: {  	[tilespmem:s16], [sflag:$0x2] =	stream.indirect.gather [hbm4b:s4+s14], $0x88, s22, s14, $0xb8;
	[tilespmem:$0x1F720] =	vst v63  }
0x61: {  	_ =	swait.ge [sflag:s17], $0x2A80  }
0x62: {  	[sflag:s17] =	ssyncset.done $0x0  }
0x63: {  	s24 =	sadd.s32 $0x2710, s21;
	[sflag:s17] =	ssyncadd.s32 $0xFFFFD580  }
0x64: {  	[spmem:s2] =	stream.indirect.scatter.add.f32 [tilespmem:s15], [sflag:$0x3], $0x88, s24, s14, $0xb8;
	[tilespmem:$0x1F720] =	vst v63  }
0x65: {  	_ =	swait.ge [sflag:s12], $0x2A80  }
0x66: {  	[sflag:s12] =	ssyncset.done $0x0  }
0x67: {  	s25 =	sadd.s32 $0xA0, s21;
	[sflag:s12] =	ssyncadd.s32 $0xFFFFD580  }
0x68: {  	[tilespmem:s15], [sflag:$0x1] =	stream.indirect.gather [hbm4b:s4+s14], $0x88, s25, s14, $0xb8;
	[tilespmem:$0x1F720] =	vst v63  }
0x69: {  	_ =	swait.ge [sflag:s18], $0x2A80  }
0x6a: {  	[sflag:s18] =	ssyncset.done $0x0  }
0x6b: {  	s26 =	sadd.s32 $0x2760, s21;
	[sflag:s18] =	ssyncadd.s32 $0xFFFFD580  }
0x6c: {  	[spmem:s2] =	stream.indirect.scatter.add.f32 [tilespmem:s16], [sflag:$0x3], $0x88, s26, s14, $0xb8;
	[tilespmem:$0x1F720] =	vst v63  }
0x6d: {  	_ =	swait.ge [sflag:s12], $0x2A80  }
0x6e: {  	[sflag:s12] =	ssyncset.done $0x0  }
0x6f: {  	s28 =	sadd.s32 $0xF0, s21;
	[sflag:s12] =	ssyncadd.s32 $0xFFFFD580  }
0x70: {  	[tilespmem:s16], [sflag:$0x2] =	stream.indirect.gather [hbm4b:s4+s14], $0x88, s28, s14, $0xb8;
	[tilespmem:$0x1F720] =	vst v63  }
0x71: {  	_ =	swait.ge [sflag:s17], $0x2A80  }
0x72: {  	[sflag:s17] =	ssyncset.done $0x0  }
0x73: {  	s29 =	sadd.s32 $0x27B0, s21;
	[sflag:s17] =	ssyncadd.s32 $0xFFFFD580  }
0x74: {  	[spmem:s2] =	stream.indirect.scatter.add.f32 [tilespmem:s15], [sflag:$0x3], $0x88, s29, s14, $0xb8;
	[tilespmem:$0x1F720] =	vst v63  }
0x75: {  	_ =	swait.ge [sflag:s12], $0x2A80  }
0x76: {  	[sflag:s12] =	ssyncset.done $0x0  }
0x77: {  	s30 =	sadd.s32 $0x140, s21;
	[sflag:s12] =	ssyncadd.s32 $0xFFFFD580  }
0x78: {  	[tilespmem:s15], [sflag:$0x1] =	stream.indirect.gather [hbm4b:s4+s14], $0x88, s30, s14, $0xb8;
	[tilespmem:$0x1F720] =	vst v63  }
0x79: {  	_ =	swait.ge [sflag:s18], $0x2A80  }
0x7a: {  	[sflag:s18] =	ssyncset.done $0x0  }
0x7b: {  	s31 =	sadd.s32 $0x2800, s21;
	[sflag:s18] =	ssyncadd.s32 $0xFFFFD580  }
0x7c: {  	[spmem:s2] =	stream.indirect.scatter.add.f32 [tilespmem:s16], [sflag:$0x3], $0x88, s31, s14, $0xb8;
	[tilespmem:$0x1F720] =	vst v63  }
0x7d: {  	_ =	swait.ge [sflag:s12], $0x2A80  }
0x7e: {  	[sflag:s12] =	ssyncset.done $0x0  }
0x7f: {  	[sflag:s12] =	ssyncadd.s32 $0xFFFFD580  }
0x80: {  	_ =	swait.ge [sflag:s17], $0x2A80  }
0x81: {  	[sflag:s17] =	ssyncset.done $0x0  }
0x82: {  	[sflag:s17] =	ssyncadd.s32 $0xFFFFD580  }
0x83: {  	[spmem:s2] =	stream.indirect.scatter.add.f32 [tilespmem:s15], [sflag:$0x3], $0x88, s19, s14, $0xb8;
	[tilespmem:$0x1F720] =	vst v63  }
0x84: {  	_ =	swait.ge [sflag:s12], $0x2A80  }
0x85: {  	s20 =	sadd.s32 $0x1, s20;
	[sflag:s12] =	ssyncset.done $0x0  }
0x86: {  	p0 =	sne.s32 s20, s10;
	[sflag:s12] =	ssyncadd.s32 $0xFFFFD580  }
.Ltmp1:
0x87: {  	[bflag:$0x0] =	sbarrier.arrive $0xFFFF;
	(pc) =	sbr.rel @p0 .LBB2_1-.Ltmp1, $4  }
0x88: {  	[hbm:s9], [sflag:s6] =	dma.local [spmem:s11], $0x2A80  }
0x89: {  	_ =	swait.ge [sflag:s12], $0x2A80  }
0x8a: {  	[sflag:s12] =	ssyncset.done $0x0  }
0x8b: {  	[sflag:s12] =	ssyncadd.s32 $0xFFFFD580  }
0x8c: {  	_ =	sfence.sel $0x180000  }
0x8d: {  	[bflag:$0x0] =	sbarrier.arrive $0xFFFF  }
0x8e: {  	p0 =	sne.s32 s0, $0x0;
	_ =	strace $0x90000047  }
0x8f: {  	s0 =	sadd.s32 @!p0 $0x100000, s1;
	[bflag:$0x2] =	sbarrier.arrive $0xFFFF  }
0x90: {  	[sflag:s0] =	ssyncadd.tile.s32 @!p0 $0x1;
	_ =	shalt  }
.Lfunc_end2:
_tile_overlayer_lowered:
.L_overlay_start_2:
0x91: {  	(tag) =	ssettag $0x2  }
0x92: {  	s0 =	rddreg [dreg:$0x0];
	s2 =	stileid.u32  }
0x93: {  	s1 =	rddreg [dreg:$0x1];
	p0 =	sne.s32 s2, $0x0  }
0x94: {  	s3 =	rddreg [dreg:$0x2];
	[bflag:$0x3] =	sbarrier.arrive $0xFFFF;
	s2 =	simm.s32 @!p0 $0x1C03  }
0x95: {  	[timem:s3], [sflag:s2] =	dma.local @!p0 [hbm:s0], s1  }
0x96: {  	s0 =	simm.s32 @!p0 $0x3  }
0x97: {  	_ =	swait.ge @!p0 [sflag:s0], s1  }
0x98: {  	s1 =	ssub.s32 @!p0 $0x0, s1;
	[sflag:s0] =	ssyncset.done @!p0 $0x0  }
0x99: {  	[sflag:s0] =	ssyncadd.s32 @!p0 s1  }
0x9a: {  	[bflag:$0x3] =	sbarrier.arrive $0xFFFF  }
0x9b: {  	_ =	shalt  }

// kernel: kernel.9.cloned.1.call-start
scs
__scs_entry_jumppad:
0x0: {  	(pc) =	sbr.rel $0x88, $3  }
0x1: {  	(tag) =	ssettag $0x0;
	lr =	simm.s32 $0x1  }
0x2: {  	[smem:$0x3F97] =	sst lr;
	_ =	strace $0xD0000000  }
0x3: {  	_ = 	snop  }
0x4: {  	_ = 	snop  }
0x5: {  	_ = 	snop  }
0x6: {  	_ = 	snop  }
0x7: {  	_ = 	snop  }
__scs_overlays_trampoline_lowered:
0x8: {  	[smem:$0x3FA6] =	sst s0  }
0x9: {  	[smem:$0x3FA7] =	sst s1  }
0xa: {  	[smem:$0x3FA8] =	sst s2  }
0xb: {  	[smem:$0x3FA9] =	sst s3  }
0xc: {  	[smem:$0x3FAA] =	sst s4  }
0xd: {  	[smem:$0x3FAB] =	sst s5  }
0xe: {  	[smem:$0x3FAC] =	sst s6  }
0xf: {  	[smem:$0x3FAD] =	sst s7  }
0x10: {  	[smem:$0x3FAE] =	sst s8  }
0x11: {  	[smem:$0x3FAF] =	sst s9;
	s0 =	simm.s32 @!p0 $0x0  }
0x12: {  	s1 =	sld [smem:$0x3F95];
	s0 =	simm.s32 @p0 $0x1  }
0x13: {  	[smem:$0x3FB0] =	sst s0;
	s0 =	simm.s32 @!p1 $0x0  }
0x14: {  	s2 =	sld [smem:$0x3F94];
	s0 =	simm.s32 @p1 $0x1  }
0x15: {  	[smem:$0x3FB1] =	sst s0;
	s0 =	simm.s32 @!p2 $0x0  }
0x16: {  	s3 =	sld [smem:$0x3FDB];
	s0 =	simm.s32 @p2 $0x1  }
0x17: {  	s4 =	simm.s32 $0x1BF5;
	[smem:$0x3FB3] =	sst s0  }
0x18: {  	s0 =	sld [smem:$0x3F96];
	_ =	swait.ge [sflag:s4], $0x0  }
0x19: {  	s7 =	sld [smem:$0x3F97]  }
0x1a: {  	s8 =	sadd.s32 $0xFFFFE003, lr  }
0x1b: {  	s9 =	sadd.s32 $0xFFFFFEF7, lr;
	s5 =	simm.s32 $0xFFFFFFFF;
	p2 =	slt.u32 s8, $0xFFFFF086  }
0x1c: {  	p1 =	slt.u32 s9, $0xF7A;
	s5 =	simm.s32 @!p2 $0x0  }
0x1d: {  	s5 =	simm.s32 @p1 $0x1;
	p0 =	seq.s32 s7, s2  }
0x1e: {  	s7 =	smul.u32 @!p0 $0xF7A, s2;
	p2 =	seq.s32 @!p0 s5, $0x0  }
0x1f: {  	s9 =	smul.u32 $0xF7A, s1;
	s8 =	simm.s32 @!p0 $0x1BF5;
	p2 =	por !p2, p0  }
0x20: {  	[sflag:s8] =	ssyncset.s32 @!p0 $0xFFFFF086;
	s6 =	sadd.s32 @!p0 s3, s7;
	s7 =	simm.s32 @!p0 $0x108  }
0x21: {  	s3 =	sadd.s32 s3, s9;
	s6 =	sadd.s32 @!p0 $0x88, s6;
	s7 =	simm.s32 @p2 $0x1082  }
0x22: {  	[simem:s7], [sflag:s8] =	dma.local @!p0 [hbm:s6], $0xF7A  }
0x23: {  	s9 =	sor.u32 $0xD0000000, s2;
	s6 =	simm.s32 $0x108;
	_ =	swait.ge @!p0 [sflag:s8], $0x0  }
0x24: {  	s3 =	sadd.s32 $0x88, s3;
	s6 =	simm.s32 @!p1 $0x1082;
	[sflag:s4] =	ssyncset.s32 $0xFFFFF086  }
0x25: {  	[simem:s6], [sflag:s4] =	dma.local [hbm:s3], $0xF7A  }
0x26: {  	[smem:$0x3F97] =	sst s1;
	(tag) =	ssettag s2;
	_ =	strace s9  }
0x27: {  	s1 =	sld [smem:$0x3FA7]  }
0x28: {  	s2 =	sld [smem:$0x3FA8]  }
0x29: {  	s4 =	sld [smem:$0x3FAA]  }
0x2a: {  	p0 =	seq.s32 s5, $0x0;
	s5 =	sld [smem:$0x3FAB]  }
0x2b: {  	s6 =	sld [smem:$0x3FAC]  }
0x2c: {  	s7 =	sld [smem:$0x3FAD]  }
0x2d: {  	s3 =	simm.s32 $0x108;
	s8 =	sld [smem:$0x3FAE]  }
0x2e: {  	s3 =	simm.s32 @!p0 $0x1082;
	s9 =	sld [smem:$0x3FAF]  }
0x2f: {  	lr =	sadd.s32 s0, s3;
	s0 =	sld [smem:$0x3FA6]  }
0x30: {  	s3 =	sld [smem:$0x3FA9]  }
0x31: {  	[smem:$0x3FB2] =	sst s10  }
0x32: {  	s10 =	sld [smem:$0x3FB0];
	_ =	sdelay $0x3  }
0x33: {  	p0 =	seq.s32 s10, $0x1;
	s10 =	sld [smem:$0x3FB2];
	_ =	sdelay $0x3  }
0x34: {  	[smem:$0x3FB2] =	sst s10  }
0x35: {  	s10 =	sld [smem:$0x3FB1];
	_ =	sdelay $0x3  }
0x36: {  	p1 =	seq.s32 s10, $0x1;
	s10 =	sld [smem:$0x3FB2];
	_ =	sdelay $0x3  }
0x37: {  	[smem:$0x3FB2] =	sst s10  }
0x38: {  	s10 =	sld [smem:$0x3FB3]  }
0x39: {  	_ = 	snop;
	(pc) =	sbr.ind lr, $3  }
0x3a: {  	_ = 	snop  }
0x3b: {  	_ = 	snop  }
0x3c: {  	p2 =	seq.s32 s10, $0x1;
	s10 =	sld [smem:$0x3FB2]  }
0x3d: {  	_ =	shalt  }
0x3e: {  	_ =	shalt  }
0x3f: {  	_ =	shalt  }
0x40: {  	_ =	shalt  }
0x41: {  	_ =	shalt  }
0x42: {  	_ =	shalt  }
0x43: {  	_ =	shalt  }
0x44: {  	_ =	shalt  }
0x45: {  	_ =	shalt  }
0x46: {  	_ =	shalt  }
0x47: {  	_ =	shalt  }
0x48: {  	_ =	shalt  }
0x49: {  	_ =	shalt  }
0x4a: {  	_ =	shalt  }
0x4b: {  	_ =	shalt  }
0x4c: {  	_ =	shalt  }
0x4d: {  	_ =	shalt  }
0x4e: {  	_ =	shalt  }
0x4f: {  	_ =	shalt  }
0x50: {  	_ =	shalt  }
0x51: {  	_ =	shalt  }
0x52: {  	_ =	shalt  }
0x53: {  	_ =	shalt  }
0x54: {  	_ =	shalt  }
0x55: {  	_ =	shalt  }
0x56: {  	_ =	shalt  }
0x57: {  	_ =	shalt  }
0x58: {  	_ =	shalt  }
0x59: {  	_ =	shalt  }
0x5a: {  	_ =	shalt  }
0x5b: {  	_ =	shalt  }
0x5c: {  	_ =	shalt  }
0x5d: {  	_ =	shalt  }
0x5e: {  	_ =	shalt  }
0x5f: {  	_ =	shalt  }
0x60: {  	_ =	shalt  }
0x61: {  	_ =	shalt  }
0x62: {  	_ =	shalt  }
0x63: {  	_ =	shalt  }
0x64: {  	_ =	shalt  }
0x65: {  	_ =	shalt  }
0x66: {  	_ =	shalt  }
0x67: {  	_ =	shalt  }
0x68: {  	_ =	shalt  }
0x69: {  	_ =	shalt  }
0x6a: {  	_ =	shalt  }
0x6b: {  	_ =	shalt  }
0x6c: {  	_ =	shalt  }
0x6d: {  	_ =	shalt  }
0x6e: {  	_ =	shalt  }
0x6f: {  	_ =	shalt  }
0x70: {  	_ =	shalt  }
0x71: {  	_ =	shalt  }
0x72: {  	_ =	shalt  }
0x73: {  	_ =	shalt  }
0x74: {  	_ =	shalt  }
0x75: {  	_ =	shalt  }
0x76: {  	_ =	shalt  }
0x77: {  	_ =	shalt  }
0x78: {  	_ =	shalt  }
0x79: {  	_ =	shalt  }
0x7a: {  	_ =	shalt  }
0x7b: {  	_ =	shalt  }
0x7c: {  	_ =	shalt  }
0x7d: {  	_ =	shalt  }
0x7e: {  	_ =	shalt  }
0x7f: {  	_ =	shalt  }
0x80: {  	_ =	shalt  }
0x81: {  	_ =	shalt  }
0x82: {  	_ =	shalt  }
0x83: {  	_ =	shalt  }
0x84: {  	_ =	shalt  }
0x85: {  	_ =	shalt  }
0x86: {  	_ =	shalt  }
0x87: {  	_ =	shalt  }
.Lfunc_end0:
.L_simem_size_0:
called_computation.1_lowered:
.L_overlay_start_0:
0x88: {  	s2 =	sld [smem:$0x3FD9]  }
0x89: {  	s3 =	sld [smem:$0x3FFE];
	_ =	sdelay $0x1  }
0x8a: {  	s1 =	srdreg.scid  }
0x8b: {  	s0 =	sand.u32 $0x1, s1  }
0x8c: {  	s16 =	sshll.u32 s0, $0xA;
	s2 =	sadd.s32 s3, s2  }
0x8d: {  	s2 =	sadd.s32 s2, s16  }
0x8e: {  	[smem:$0x3FBE] =	sst s2  }
0x8f: {  	_ = 	snop  }
0x90: {  	(tm) =	ssettm $0x1  }
0x91: {  	s17 =	sld [smem:$0x3FFB];
	_ =	sdelay $0x3  }
0x92: {  	_ =	strace s17  }
0x93: {  	s2 =	sld [smem:$0x3FFC];
	_ =	sdelay $0x3  }
0x94: {  	_ =	strace s2  }
0x95: {  	s2 =	sld [smem:$0x3FFD];
	_ =	sdelay $0x3  }
0x96: {  	_ =	strace s2  }
0x97: {  	_ =	strace $0x8FFFFFFF  }
0x98: {  	s18 =	sld [smem:$0x3FDB];
	_ =	sdelay $0x1  }
0x99: {  	s19 =	simm.s32 $_scs_section_size  }
0x9a: {  	s4 =	simm.s32 $_size__tile_overlayer_lowered;
	s5 =	simm.s32 $_tile_overlayer_lowered  }
0x9b: {  	s22 =	simm.s32 $0x1BFF;
	s21 =	sshll.u32 s5, $0x1;
	s2 =	sadd.s32 s19, s18  }
0x9c: {  	s6 =	simm.s32 $0x0;
	s20 =	sshll.u32 s4, $0x1;
	s4 =	sadd.s32 s21, s2  }
0x9d: {  	[timem:s6], [sflag:s22] =	dma.local [hbm:s4], s20  }
0x9e: {  	_ =	swait.ge [sflag:s22], s20  }
0x9f: {  	s3 =	ssub.s32 $0x0, s20;
	[sflag:s22] =	ssyncset.done $0x0  }
0xa0: {  	[sflag:s22] =	ssyncadd.s32 s3;
	_ =	sdelay $0x1  }
0xa1: {  	s23 =	simm.s32 $0x1B8B  }
0xa2: {  	_ =	swait.ge [sflag:s23], $0x1  }
0xa3: {  	[sflag:s23] =	ssyncset.done $0x0  }
0xa4: {  	s25 =	simm.s32 $0x1B8E;
	s24 =	sld [smem:$0x3FFE];
	[sflag:s23] =	ssyncadd.s32 $0xFFFFFFFF  }
0xa5: {  	s26 =	simm.s32 $execute0_lowered;
	[smem:$0x3FD2] =	sst s25  }
0xa6: {  	s4 =	sshll.u32 s26, $0x1;
	_ =	strace $0x80000049;
	[dreg:$0x1] =	wrdreg $0xFFFFFFFF  }
0xa7: {  	s28 =	simm.s32 $_size_execute0_lowered;
	s2 =	sadd.s32 s2, s4;
	[dreg:$0x0] =	wrdreg $0x0  }
0xa8: {  	s4 =	sshll.u32 s28, $0x1;
	[dreg:$0x2] =	wrdreg s2  }
0xa9: {  	[dreg:$0x3] =	wrdreg s4  }
0xaa: {  	[dreg:$0x4] =	wrdreg $0xC0  }
0xab: {  	_ =	task [dreg:s6], $0x5FFFF  }
0xac: {  	[dreg:$0x1] =	wrdreg $0xFFFFFFFF  }
0xad: {  	[dreg:$0x0] =	wrdreg $0x60  }
0xae: {  	[dreg:$0x2] =	wrdreg s24  }
0xaf: {  	[dreg:$0x3] =	wrdreg $0x76200  }
0xb0: {  	[dreg:$0x4] =	wrdreg $0x9  }
0xb1: {  	_ =	task.clear_ibuf [dreg:s6], $0x5FFFF;
	_ =	strace $0x90000049  }
0xb2: {  	s29 =	simm.s32 $0x9;
	_ =	strace $0x8000004B  }
0xb3: {  	_ =	swait.ge [sflag:s29], $0x1  }
0xb4: {  	[sflag:s29] =	ssyncadd.s32 $0xFFFFFFFF  }
0xb5: {  	_ =	strace $0x9000004B  }
0xb6: {  	_ =	sfence  }
0xb7: {  	s30 =	sld [smem:$0x0];
	_ =	sdelay $0x2  }
0xb8: {  	s31 =	sshll.u32 s1, $0xD;
	s1 =	sshrl.u32 s1, $0x2  }
0xb9: {  	s3 =	sand.u32 $0x4000, s31;
	s1 =	sadd.s32 s1, s30  }
0xba: {  	s0 =	sor.u32 s3, s0;
	s1 =	sshll.u32 s1, $0x11  }
0xbb: {  	s0 =	sor.u32 s1, s0  }
0xbc: {  	s0 =	sadd.s32 $0x8F2B, s0  }
0xbd: {  	[sflag:s0] =	ssyncadd.remote.s32 $0x1  }
0xbe: {  	_ =	sfence.sel $0xFFFF  }
0xbf: {  	[dreg:$0x0] =	wrdreg $0xFFFFFFFF;
	(pc) =	sbr.abs _section_cstart, $3  }
0xc0: {  	[dreg:$0x1] =	wrdreg $0xFFFFFFFF  }
0xc1: {  	_ =	task.clear_ibuf [dreg:s6], $0x2FFFF;
	_ =	strace $0x9FFFFFFF  }
0xc2: {  	(tm) =	ssettm $0x7FFFFFFF  }
0xc3: {  	_ =	shalt  }
tec
execute0_lowered:
.L_overlay_start_1:
0x0: {  	(tag) =	ssettag $0x1  }
0x1: {  	s6 =	rddreg [dreg:$0x0]  }
0x2: {  	s0 =	srdreg.scid;
	s2 =	rddreg [dreg:$0x1]  }
0x3: {  	s3 =	simm.s32 $0x0;
	s14 =	simm.s32 $0x50;
	s15 =	simm.s32 $0x4E20  }
0x4: {  	s16 =	simm.s32 $0x6220;
	s17 =	simm.s32 $0x1;
	s18 =	simm.s32 $0x2  }
0x5: {  	s19 =	simm.s32 $0x4DD0;
	s5 =	sand.u32 $0x1, s0;
	s0 =	stileid.u32  }
0x6: {  	s20 =	simm.s32 $0x0;
	[smem:$0x7FF] =	sst s3;
	s8 =	smul.u32 $0xA000, s0  }
0x7: {  	s4 =	sadd.s32 $0x15000, s6;
	s1 =	sshll.u32 s5, $0x4;
	s9 =	smul.u32 $0xA0000, s5  }
0x8: {  	s5 =	ssub.s32 $0x2, s5;
	s31 =	sshll.u32 s0, $0x6;
	s1 =	sor.u32 s0, s1  }
0x9: {  	s11 =	sshrl.u32 s5, $0x1;
	s7 =	smul.u32 $0x4E2, s1;
	s1 =	rddreg [dreg:$0x2]  }
0xa: {  	_ =	strace $0x8000004A;
	s29 =	sadd.s32 s8, s9;
	s30 =	sshrl.u32 s8, $0x3  }
0xb: {  	s11 =	ssub.s32 s5, s11;
	s13 =	sadd.s32 s8, s2;
	s9 =	sadd.s32 s30, s6  }
0xc: {  	s10 =	sadd.s32 s7, s6;
	s7 =	sshrl.u32 s29, $0x3;
	s5 =	sadd.s32 $0x29000, s9  }
0xd: {  	s12 =	sadd.s32 s7, s6;
	s6 =	sor.u32 $0x1C03, s31;
	s7 =	sadd.s32 $0xB200, s10  }
0xe: {  	s8 =	sadd.s32 $0x1400, s10;
	s10 =	smax.u32 s11, $0x1;
	s11 =	sshrl.u32 s13, $0x3  }
0xf: {  	s13 =	simm.s32 $0x2710;
	s9 =	sadd.s32 $0x3D000, s12;
	s12 =	simm.s32 $0x3  }
.LBB2_1:
0x10: {  	[spmem:s11], [sflag:s6] =	dma.local [hbm:s5], $0x1400  }
0x11: {  	_ =	swait.ge [sflag:s12], $0x1400  }
0x12: {  	[sflag:s12] =	ssyncset.done $0x0  }
0x13: {  	[sflag:s12] =	ssyncadd.s32 $0xFFFFEC00  }
0x14: {  	[tilespmem:s3], [sflag:$0x3] =	stream.linear.gather [hbm4b:s7+s3], $0x2710, $0x38;
	[tilespmem:$0x11620] =	vst v63  }
0x15: {  	_ =	swait.ge [sflag:s12], $0x2710  }
0x16: {  	[sflag:s12] =	ssyncset.done $0x0  }
0x17: {  	[sflag:s12] =	ssyncadd.s32 $0xFFFFD8F0  }
0x18: {  	[tilespmem:s13], [sflag:$0x3] =	stream.linear.gather [hbm4b:s8+s3], $0x2710, $0x38;
	[tilespmem:$0x11620] =	vst v63  }
0x19: {  	_ =	swait.ge [sflag:s12], $0x2710  }
0x1a: {  	[sflag:s12] =	ssyncset.done $0x0  }
0x1b: {  	[sflag:s12] =	ssyncadd.s32 $0xFFFFD8F0  }
0x1c: {  	[bflag:$0x0] =	sbarrier.arrive $0xFFFF  }
0x1d: {  	[tilespmem:s15], [sflag:$0x1] =	stream.indirect.gather [hbm4b:s4+s14], $0x40, s3, s14, $0xb8;
	[tilespmem:$0x11620] =	vst v63  }
0x1e: {  	s21 =	simm.s32 $0x50  }
0x1f: {  	[tilespmem:s16], [sflag:$0x2] =	stream.indirect.gather [hbm4b:s4+s14], $0x40, s21, s14, $0xb8;
	[tilespmem:$0x11620] =	vst v63  }
0x20: {  	_ =	swait.ge [sflag:s17], $0x1400  }
0x21: {  	[sflag:s17] =	ssyncset.done $0x0  }
0x22: {  	s24 =	simm.s32 $0x2710;
	[sflag:s17] =	ssyncadd.s32 $0xFFFFEC00  }
0x23: {  	[spmem:s2] =	stream.indirect.scatter.add.f32 [tilespmem:s15], [sflag:$0x3], $0x40, s24, s14, $0xb8;
	[tilespmem:$0x11620] =	vst v63  }
0x24: {  	_ =	swait.ge [sflag:s12], $0x1400  }
0x25: {  	[sflag:s12] =	ssyncset.done $0x0  }
0x26: {  	s25 =	simm.s32 $0xA0;
	[sflag:s12] =	ssyncadd.s32 $0xFFFFEC00  }
0x27: {  	[tilespmem:s15], [sflag:$0x1] =	stream.indirect.gather [hbm4b:s4+s14], $0x40, s25, s14, $0xb8;
	[tilespmem:$0x11620] =	vst v63  }
0x28: {  	_ =	swait.ge [sflag:s18], $0x1400  }
0x29: {  	[sflag:s18] =	ssyncset.done $0x0  }
0x2a: {  	s26 =	simm.s32 $0x2760;
	[sflag:s18] =	ssyncadd.s32 $0xFFFFEC00  }
0x2b: {  	[spmem:s2] =	stream.indirect.scatter.add.f32 [tilespmem:s16], [sflag:$0x3], $0x40, s26, s14, $0xb8;
	[tilespmem:$0x11620] =	vst v63  }
0x2c: {  	_ =	swait.ge [sflag:s12], $0x1400  }
0x2d: {  	[sflag:s12] =	ssyncset.done $0x0  }
0x2e: {  	s28 =	simm.s32 $0xF0;
	[sflag:s12] =	ssyncadd.s32 $0xFFFFEC00  }
0x2f: {  	[tilespmem:s16], [sflag:$0x2] =	stream.indirect.gather [hbm4b:s4+s14], $0x40, s28, s14, $0xb8;
	[tilespmem:$0x11620] =	vst v63  }
0x30: {  	_ =	swait.ge [sflag:s17], $0x1400  }
0x31: {  	[sflag:s17] =	ssyncset.done $0x0  }
0x32: {  	s29 =	simm.s32 $0x27B0;
	[sflag:s17] =	ssyncadd.s32 $0xFFFFEC00  }
0x33: {  	[spmem:s2] =	stream.indirect.scatter.add.f32 [tilespmem:s15], [sflag:$0x3], $0x40, s29, s14, $0xb8;
	[tilespmem:$0x11620] =	vst v63  }
0x34: {  	_ =	swait.ge [sflag:s12], $0x1400  }
0x35: {  	[sflag:s12] =	ssyncset.done $0x0  }
0x36: {  	s30 =	simm.s32 $0x140;
	[sflag:s12] =	ssyncadd.s32 $0xFFFFEC00  }
0x37: {  	[tilespmem:s15], [sflag:$0x1] =	stream.indirect.gather [hbm4b:s4+s14], $0x40, s30, s14, $0xb8;
	[tilespmem:$0x11620] =	vst v63  }
0x38: {  	_ =	swait.ge [sflag:s18], $0x1400  }
0x39: {  	[sflag:s18] =	ssyncset.done $0x0  }
0x3a: {  	s31 =	simm.s32 $0x2800;
	[sflag:s18] =	ssyncadd.s32 $0xFFFFEC00  }
0x3b: {  	[spmem:s2] =	stream.indirect.scatter.add.f32 [tilespmem:s16], [sflag:$0x3], $0x40, s31, s14, $0xb8;
	[tilespmem:$0x11620] =	vst v63  }
0x3c: {  	_ =	swait.ge [sflag:s12], $0x1400  }
0x3d: {  	s21 =	simm.s32 $0x140;
	s24 =	simm.s32 $0xA00;
	[sflag:s12] =	ssyncset.done $0x0  }
.LBB2_2:
0x3e: {  	s25 =	sadd.s32 $0x50, s21  }
0x3f: {  	[sflag:s12] =	ssyncadd.s32 $0xFFFFEC00;
	s23 =	smov.u32 s24;
	s22 =	sadd.s32 $0x500, s24  }
0x40: {  	[tilespmem:s16], [sflag:$0x2] =	stream.indirect.gather [hbm4b:s4+s14], $0x40, s25, s14, $0xb8;
	[tilespmem:$0x11620] =	vst v63  }
0x41: {  	p0 =	sne.s32 s24, $0x9600;
	_ =	swait.ge [sflag:s17], $0x1400  }
0x42: {  	[sflag:s17] =	ssyncset.done $0x0  }
0x43: {  	s24 =	sadd.s32 $0x2710, s21;
	[sflag:s17] =	ssyncadd.s32 $0xFFFFEC00  }
0x44: {  	[spmem:s2] =	stream.indirect.scatter.add.f32 [tilespmem:s15], [sflag:$0x3], $0x40, s24, s14, $0xb8;
	[tilespmem:$0x11620] =	vst v63  }
0x45: {  	_ =	swait.ge [sflag:s12], $0x1400  }
0x46: {  	[sflag:s12] =	ssyncset.done $0x0  }
0x47: {  	s24 =	sadd.s32 $0xA0, s21;
	[sflag:s12] =	ssyncadd.s32 $0xFFFFEC00  }
0x48: {  	[tilespmem:s15], [sflag:$0x1] =	stream.indirect.gather [hbm4b:s4+s14], $0x40, s24, s14, $0xb8;
	[tilespmem:$0x11620] =	vst v63  }
0x49: {  	_ =	swait.ge [sflag:s18], $0x1400  }
0x4a: {  	[sflag:s18] =	ssyncset.done $0x0  }
0x4b: {  	s24 =	sadd.s32 $0x2760, s21;
	[sflag:s18] =	ssyncadd.s32 $0xFFFFEC00  }
0x4c: {  	[spmem:s2] =	stream.indirect.scatter.add.f32 [tilespmem:s16], [sflag:$0x3], $0x40, s24, s14, $0xb8;
	[tilespmem:$0x11620] =	vst v63  }
0x4d: {  	_ =	swait.ge [sflag:s12], $0x1400  }
0x4e: {  	[sflag:s12] =	ssyncset.done $0x0  }
0x4f: {  	s24 =	sadd.s32 $0xF0, s21;
	[sflag:s12] =	ssyncadd.s32 $0xFFFFEC00  }
0x50: {  	[tilespmem:s16], [sflag:$0x2] =	stream.indirect.gather [hbm4b:s4+s14], $0x40, s24, s14, $0xb8;
	[tilespmem:$0x11620] =	vst v63  }
0x51: {  	_ =	swait.ge [sflag:s17], $0x1400  }
0x52: {  	[sflag:s17] =	ssyncset.done $0x0  }
0x53: {  	s24 =	sadd.s32 $0x27B0, s21;
	[sflag:s17] =	ssyncadd.s32 $0xFFFFEC00  }
0x54: {  	[spmem:s2] =	stream.indirect.scatter.add.f32 [tilespmem:s15], [sflag:$0x3], $0x40, s24, s14, $0xb8;
	[tilespmem:$0x11620] =	vst v63  }
0x55: {  	_ =	swait.ge [sflag:s12], $0x1400  }
0x56: {  	[sflag:s12] =	ssyncset.done $0x0  }
0x57: {  	s24 =	sadd.s32 $0x140, s21;
	[sflag:s12] =	ssyncadd.s32 $0xFFFFEC00  }
0x58: {  	[tilespmem:s15], [sflag:$0x1] =	stream.indirect.gather [hbm4b:s4+s14], $0x40, s24, s14, $0xb8;
	[tilespmem:$0x11620] =	vst v63  }
0x59: {  	_ =	swait.ge [sflag:s18], $0x1400  }
.Ltmp0:
0x5a: {  	[sflag:s18] =	ssyncset.done $0x0;
	(pc) =	sbr.rel @p0 .LBB2_2-.Ltmp0, $4  }
0x5b: {  	s21 =	sadd.s32 $0x2800, s21;
	[sflag:s18] =	ssyncadd.s32 $0xFFFFEC00  }
0x5c: {  	[spmem:s2] =	stream.indirect.scatter.add.f32 [tilespmem:s16], [sflag:$0x3], $0x40, s21, s14, $0xb8;
	[tilespmem:$0x11620] =	vst v63  }
0x5d: {  	_ =	swait.ge [sflag:s12], $0x1400  }
0x5e: {  	s24 =	smov.u32 s22;
	s21 =	sshra.s32 s23, $0x2;
	[sflag:s12] =	ssyncset.done $0x0  }
0x5f: {  	s22 =	sadd.s32 $0x50, s21;
	[sflag:s12] =	ssyncadd.s32 $0xFFFFEC00  }
0x60: {  	[tilespmem:s16], [sflag:$0x2] =	stream.indirect.gather [hbm4b:s4+s14], $0x40, s22, s14, $0xb8;
	[tilespmem:$0x11620] =	vst v63  }
0x61: {  	_ =	swait.ge [sflag:s17], $0x1400  }
0x62: {  	[sflag:s17] =	ssyncset.done $0x0  }
0x63: {  	s24 =	sadd.s32 $0x2710, s21;
	[sflag:s17] =	ssyncadd.s32 $0xFFFFEC00  }
0x64: {  	[spmem:s2] =	stream.indirect.scatter.add.f32 [tilespmem:s15], [sflag:$0x3], $0x40, s24, s14, $0xb8;
	[tilespmem:$0x11620] =	vst v63  }
0x65: {  	_ =	swait.ge [sflag:s12], $0x1400  }
0x66: {  	[sflag:s12] =	ssyncset.done $0x0  }
0x67: {  	s25 =	sadd.s32 $0xA0, s21;
	[sflag:s12] =	ssyncadd.s32 $0xFFFFEC00  }
0x68: {  	[tilespmem:s15], [sflag:$0x1] =	stream.indirect.gather [hbm4b:s4+s14], $0x40, s25, s14, $0xb8;
	[tilespmem:$0x11620] =	vst v63  }
0x69: {  	_ =	swait.ge [sflag:s18], $0x1400  }
0x6a: {  	[sflag:s18] =	ssyncset.done $0x0  }
0x6b: {  	s26 =	sadd.s32 $0x2760, s21;
	[sflag:s18] =	ssyncadd.s32 $0xFFFFEC00  }
0x6c: {  	[spmem:s2] =	stream.indirect.scatter.add.f32 [tilespmem:s16], [sflag:$0x3], $0x40, s26, s14, $0xb8;
	[tilespmem:$0x11620] =	vst v63  }
0x6d: {  	_ =	swait.ge [sflag:s12], $0x1400  }
0x6e: {  	[sflag:s12] =	ssyncset.done $0x0  }
0x6f: {  	s28 =	sadd.s32 $0xF0, s21;
	[sflag:s12] =	ssyncadd.s32 $0xFFFFEC00  }
0x70: {  	[tilespmem:s16], [sflag:$0x2] =	stream.indirect.gather [hbm4b:s4+s14], $0x40, s28, s14, $0xb8;
	[tilespmem:$0x11620] =	vst v63  }
0x71: {  	_ =	swait.ge [sflag:s17], $0x1400  }
0x72: {  	[sflag:s17] =	ssyncset.done $0x0  }
0x73: {  	s29 =	sadd.s32 $0x27B0, s21;
	[sflag:s17] =	ssyncadd.s32 $0xFFFFEC00  }
0x74: {  	[spmem:s2] =	stream.indirect.scatter.add.f32 [tilespmem:s15], [sflag:$0x3], $0x40, s29, s14, $0xb8;
	[tilespmem:$0x11620] =	vst v63  }
0x75: {  	_ =	swait.ge [sflag:s12], $0x1400  }
0x76: {  	[sflag:s12] =	ssyncset.done $0x0  }
0x77: {  	s30 =	sadd.s32 $0x140, s21;
	[sflag:s12] =	ssyncadd.s32 $0xFFFFEC00  }
0x78: {  	[tilespmem:s15], [sflag:$0x1] =	stream.indirect.gather [hbm4b:s4+s14], $0x40, s30, s14, $0xb8;
	[tilespmem:$0x11620] =	vst v63  }
0x79: {  	_ =	swait.ge [sflag:s18], $0x1400  }
0x7a: {  	[sflag:s18] =	ssyncset.done $0x0  }
0x7b: {  	s31 =	sadd.s32 $0x2800, s21;
	[sflag:s18] =	ssyncadd.s32 $0xFFFFEC00  }
0x7c: {  	[spmem:s2] =	stream.indirect.scatter.add.f32 [tilespmem:s16], [sflag:$0x3], $0x40, s31, s14, $0xb8;
	[tilespmem:$0x11620] =	vst v63  }
0x7d: {  	_ =	swait.ge [sflag:s12], $0x1400  }
0x7e: {  	[sflag:s12] =	ssyncset.done $0x0  }
0x7f: {  	[sflag:s12] =	ssyncadd.s32 $0xFFFFEC00  }
0x80: {  	_ =	swait.ge [sflag:s17], $0x1400  }
0x81: {  	[sflag:s17] =	ssyncset.done $0x0  }
0x82: {  	[sflag:s17] =	ssyncadd.s32 $0xFFFFEC00  }
0x83: {  	[spmem:s2] =	stream.indirect.scatter.add.f32 [tilespmem:s15], [sflag:$0x3], $0x40, s19, s14, $0xb8;
	[tilespmem:$0x11620] =	vst v63  }
0x84: {  	_ =	swait.ge [sflag:s12], $0x1400  }
0x85: {  	s20 =	sadd.s32 $0x1, s20;
	[sflag:s12] =	ssyncset.done $0x0  }
0x86: {  	p0 =	sne.s32 s20, s10;
	[sflag:s12] =	ssyncadd.s32 $0xFFFFEC00  }
.Ltmp1:
0x87: {  	[bflag:$0x0] =	sbarrier.arrive $0xFFFF;
	(pc) =	sbr.rel @p0 .LBB2_1-.Ltmp1, $4  }
0x88: {  	[hbm:s9], [sflag:s6] =	dma.local [spmem:s11], $0x1400  }
0x89: {  	_ =	swait.ge [sflag:s12], $0x1400  }
0x8a: {  	[sflag:s12] =	ssyncset.done $0x0  }
0x8b: {  	[sflag:s12] =	ssyncadd.s32 $0xFFFFEC00  }
0x8c: {  	_ =	sfence.sel $0x180000  }
0x8d: {  	[bflag:$0x0] =	sbarrier.arrive $0xFFFF  }
0x8e: {  	p0 =	sne.s32 s0, $0x0;
	_ =	strace $0x9000004A  }
0x8f: {  	s0 =	sadd.s32 @!p0 $0x100000, s1;
	[bflag:$0x2] =	sbarrier.arrive $0xFFFF  }
0x90: {  	[sflag:s0] =	ssyncadd.tile.s32 @!p0 $0x1;
	_ =	shalt  }
.Lfunc_end2:
_tile_overlayer_lowered:
.L_overlay_start_2:
0x91: {  	(tag) =	ssettag $0x2  }
0x92: {  	s0 =	rddreg [dreg:$0x0];
	s2 =	stileid.u32  }
0x93: {  	s1 =	rddreg [dreg:$0x1];
	p0 =	sne.s32 s2, $0x0  }
0x94: {  	s3 =	rddreg [dreg:$0x2];
	[bflag:$0x3] =	sbarrier.arrive $0xFFFF;
	s2 =	simm.s32 @!p0 $0x1C03  }
0x95: {  	[timem:s3], [sflag:s2] =	dma.local @!p0 [hbm:s0], s1  }
0x96: {  	s0 =	simm.s32 @!p0 $0x3  }
0x97: {  	_ =	swait.ge @!p0 [sflag:s0], s1  }
0x98: {  	s1 =	ssub.s32 @!p0 $0x0, s1;
	[sflag:s0] =	ssyncset.done @!p0 $0x0  }
0x99: {  	[sflag:s0] =	ssyncadd.s32 @!p0 s1  }
0x9a: {  	[bflag:$0x3] =	sbarrier.arrive $0xFFFF  }
0x9b: {  	_ =	shalt  }

</sc_bundles>
